<compile_context>
chip_gen: v7x
topology: tpu7x:2x2x1
jax: 0.10.2.dev20260603
libtpu: 0.0.44.dev20260713+nightly
codegen_flags: <defaults>
</compile_context>

<pallas_src>
import functools

import jax
import jax.numpy as jnp
from jax import lax
from jax.experimental import pallas as pl
from jax.experimental.pallas import tpu as pltpu
from jax.experimental.pallas import tpu_sc as plsc

N = 10000
E = 320000
D = 128

NC = 2
NS = 16
NW = NC * NS
EPT = E // NW
C = 40
NCHUNK = EPT // C
KB = 10
NRELOAD = NCHUNK // KB
NSLOT = 3
ROWS_PER_SUB = 624
TAIL_ROWS = N - NS * ROWS_PER_SUB


def _sc_body(r_hbm, e_hbm, src_hbm, dst_hbm, zeros_hbm, out_hbm,
             srcv, dstv, e0, e1, rs0, rs1, rd0, rd1, out_sh,
             sem_e0, sem_e1, sem_g0, sem_g1, sem_sc0, sem_sc1, sem_idx):
    c = lax.axis_index("c")
    s = lax.axis_index("s")
    wid = c * NS + s

    def drain_row(sem, buf):
        pltpu.make_async_copy(e_hbm.at[pl.ds(0, C)], buf, sem).wait()

    def drain_idx():
        pltpu.make_async_copy(src_hbm.at[0, 0], srcv.at[0], sem_idx).wait()
        pltpu.make_async_copy(dst_hbm.at[0, 0], dstv.at[0], sem_idx).wait()

    def issue_e(i, ev, sem_e):
        eoff = pl.multiple_of(wid * EPT + i * C, 8)
        pltpu.async_copy(e_hbm.at[pl.ds(eoff, C)], ev, sem_e)

    def issue_gathers(i, rsv, rdv, sem_g):
        ob = lax.rem(lax.div(i, KB), NSLOT)
        k = lax.rem(i, KB)
        pltpu.async_copy(r_hbm.at[srcv.at[ob, k]], rsv, sem_g)
        pltpu.async_copy(r_hbm.at[dstv.at[ob, k]], rdv, sem_g)

    row0 = pl.multiple_of(s * ROWS_PER_SUB, 8)
    pltpu.sync_copy(zeros_hbm.at[pl.ds(row0, ROWS_PER_SUB)],
                    out_sh.at[pl.ds(row0, ROWS_PER_SUB)])

    @pl.when(s == 0)
    def _():
        pltpu.sync_copy(zeros_hbm.at[pl.ds(NS * ROWS_PER_SUB, TAIL_ROWS)],
                        out_sh.at[pl.ds(NS * ROWS_PER_SUB, TAIL_ROWS)])

    pltpu.sync_copy(src_hbm.at[wid, 0], srcv.at[0])
    pltpu.sync_copy(dst_hbm.at[wid, 0], dstv.at[0])
    pltpu.async_copy(src_hbm.at[wid, 1], srcv.at[1], sem_idx)
    pltpu.async_copy(dst_hbm.at[wid, 1], dstv.at[1], sem_idx)
    issue_e(0, e0, sem_e0)
    issue_e(1, e1, sem_e1)
    issue_gathers(0, rs0, rd0, sem_g0)

    plsc.subcore_barrier()

    bufs = ((e0, rs0, rd0, sem_e0, sem_g0, sem_sc0),
            (e1, rs1, rd1, sem_e1, sem_g1, sem_sc1))

    def pair(g, carry):
        for b in (0, 1):
            i = g * 2 + b
            ev, rsv, rdv, sem_e, sem_g, sem_sc = bufs[b]
            evo, rsvo, rdvo, sem_eo, sem_go, sem_sco = bufs[1 - b]

            @pl.when(i >= 1)
            def _():
                drain_row(sem_sco, rsvo)
                drain_row(sem_sco, rdvo)

            nxt = i + 1

            @pl.when(nxt < NCHUNK)
            def _():
                @pl.when(lax.rem(nxt, KB) == 0)
                def _():
                    drain_idx()
                    nb = lax.div(nxt, KB) + 1

                    @pl.when(nb < NRELOAD)
                    def _():
                        slot = lax.rem(nb, NSLOT)
                        pltpu.async_copy(src_hbm.at[wid, nb],
                                         srcv.at[slot], sem_idx)
                        pltpu.async_copy(dst_hbm.at[wid, nb],
                                         dstv.at[slot], sem_idx)

                issue_gathers(nxt, rsvo, rdvo, sem_go)

            drain_row(sem_e, ev)
            drain_row(sem_g, rsv)
            drain_row(sem_g, rdv)

            ob = lax.rem(lax.div(i, KB), NSLOT)
            k = lax.rem(i, KB)

            @plsc.parallel_loop(0, C, 1, unroll=4)
            def _(rr):
                for j in range(D // 16):
                    sl = pl.ds(j * 16, 16)
                    rsv[rr, sl] = rsv[rr, sl] * ev[rr, sl]

            pltpu.async_copy(rsv, out_sh.at[dstv.at[ob, k]], sem_sc, add=True)

            @plsc.parallel_loop(0, C, 1, unroll=4)
            def _(rr):
                for j in range(D // 16):
                    sl = pl.ds(j * 16, 16)
                    rdv[rr, sl] = rdv[rr, sl] * ev[rr, sl]

            pltpu.async_copy(rdv, out_sh.at[srcv.at[ob, k]], sem_sc, add=True)

            @pl.when(i + 2 < NCHUNK)
            def _():
                issue_e(i + 2, ev, sem_e)
        return carry

    lax.fori_loop(0, NCHUNK // 2, pair, 0)

    drain_row(sem_sc1, rs1)
    drain_row(sem_sc1, rd1)
    plsc.subcore_barrier()

    pltpu.sync_copy(out_sh.at[pl.ds(row0, ROWS_PER_SUB)],
                    out_hbm.at[c, pl.ds(row0, ROWS_PER_SUB)])

    @pl.when(s == 0)
    def _():
        pltpu.sync_copy(out_sh.at[pl.ds(NS * ROWS_PER_SUB, TAIL_ROWS)],
                        out_hbm.at[c, pl.ds(NS * ROWS_PER_SUB, TAIL_ROWS)])


def _add_body(p_ref, o_ref):
    o_ref[...] = p_ref[0] + p_ref[1]


@jax.jit
def kernel(r, e, a):
    a = a.astype(jnp.int32)
    src = a[:, 0].reshape(NW, NRELOAD, KB, C)
    dst = a[:, 1].reshape(NW, NRELOAD, KB, C)
    zeros = jnp.zeros((N, D), jnp.float32)

    mesh = plsc.VectorSubcoreMesh(core_axis_name="c", subcore_axis_name="s")
    partials = pl.kernel(
        _sc_body,
        out_type=jax.ShapeDtypeStruct((NC, N, D), jnp.float32),
        mesh=mesh,
        scratch_types=[
            pltpu.VMEM((NSLOT, KB, C), jnp.int32),
            pltpu.VMEM((NSLOT, KB, C), jnp.int32),
            pltpu.VMEM((C, D), jnp.float32),
            pltpu.VMEM((C, D), jnp.float32),
            pltpu.VMEM((C, D), jnp.float32),
            pltpu.VMEM((C, D), jnp.float32),
            pltpu.VMEM((C, D), jnp.float32),
            pltpu.VMEM((C, D), jnp.float32),
            pltpu.VMEM_SHARED((N, D), jnp.float32),
            pltpu.SemaphoreType.DMA,
            pltpu.SemaphoreType.DMA,
            pltpu.SemaphoreType.DMA,
            pltpu.SemaphoreType.DMA,
            pltpu.SemaphoreType.DMA,
            pltpu.SemaphoreType.DMA,
            pltpu.SemaphoreType.DMA,
        ],
    )(r, e, src, dst, zeros)

    bn = 1000
    return pl.pallas_call(
        _add_body,
        grid=(N // bn,),
        in_specs=[pl.BlockSpec((NC, bn, D), lambda i: (0, i, 0))],
        out_specs=pl.BlockSpec((bn, D), lambda i: (i, 0)),
        out_shape=jax.ShapeDtypeStruct((N, D), jnp.float32),
    )(partials)

# --- scband reference (transcript-rebuilt; emitter-appended) ---
"""Pipeline reference for scband-message-passing-module-6305011990992 (READ-ONLY COPY).

The authoritative reference and input builder live on the scoring server;
editing this copy changes nothing except your own understanding.
"""

import jax, jax.numpy as jnp
import numpy as np

N = 10000
E = 320000
D = 128

def setup_inputs(seed: int = 0) -> dict:
    key = jax.random.key(seed)
    k_r, k_e, k_a = jax.random.split(key, 3)
    r = jax.random.normal(k_r, (N, D), dtype=jnp.float32)
    e = jax.random.normal(k_e, (E, D), dtype=jnp.float32)
    a = jax.random.randint(k_a, (E, 2), 0, N, dtype=jnp.int64)
    return {"r": r, "e": e, "a": a}

def reference(r, e, a):
    # message: gather source/dest node features, modulate by edge features
    rij = r[a[:, 0]] * e
    rji = r[a[:, 1]] * e
    graph_size = r.shape[0]
    # aggregate: scatter-add messages to nodes
    out = jax.ops.segment_sum(rij, a[:, 1], num_segments=graph_size)
    out = out + jax.ops.segment_sum(rji, a[:, 0], num_segments=graph_size)
    # update: identity
    return out

if __name__ == "__main__":
    import jax
    _d = setup_inputs()
    print(jax.jit(kernel)(*tuple(_d.values())))

</pallas_src>

<mosaic_0001>
#map = affine_map<(d0, d1) -> (0, 0)>
#map1 = affine_map<(d0, d1) -> (0, 0, 0, 0)>
#map2 = affine_map<(d0, d1) -> (0, 0, 0)>
module attributes {stable_mosaic.version = 14 : i64} {
  func.func @_sc_body(%arg0: i32, %arg1: i32, %arg2: memref<10000x128xf32, #tpu.memory_space<hbm>>, %arg3: memref<320000x128xf32, #tpu.memory_space<hbm>>, %arg4: memref<32x25x10x40xi32, #tpu.memory_space<hbm>>, %arg5: memref<32x25x10x40xi32, #tpu.memory_space<hbm>>, %arg6: memref<10000x128xf32, #tpu.memory_space<hbm>>, %arg7: memref<2x10000x128xf32, #tpu.memory_space<hbm>>, %arg8: memref<3x10x40xi32, #tpu.memory_space<vmem>>, %arg9: memref<3x10x40xi32, #tpu.memory_space<vmem>>, %arg10: memref<40x128xf32, #tpu.memory_space<vmem>>, %arg11: memref<40x128xf32, #tpu.memory_space<vmem>>, %arg12: memref<40x128xf32, #tpu.memory_space<vmem>>, %arg13: memref<40x128xf32, #tpu.memory_space<vmem>>, %arg14: memref<40x128xf32, #tpu.memory_space<vmem>>, %arg15: memref<40x128xf32, #tpu.memory_space<vmem>>, %arg16: memref<10000x128xf32, #tpu.memory_space<vmem_shared>>, %arg17: memref<!tpu.dma_semaphore, #tpu.memory_space<semaphore_mem>>, %arg18: memref<!tpu.dma_semaphore, #tpu.memory_space<semaphore_mem>>, %arg19: memref<!tpu.dma_semaphore, #tpu.memory_space<semaphore_mem>>, %arg20: memref<!tpu.dma_semaphore, #tpu.memory_space<semaphore_mem>>, %arg21: memref<!tpu.dma_semaphore, #tpu.memory_space<semaphore_mem>>, %arg22: memref<!tpu.dma_semaphore, #tpu.memory_space<semaphore_mem>>, %arg23: memref<!tpu.dma_semaphore, #tpu.memory_space<semaphore_mem>>) attributes {dimension_semantics = [#tpu.dimension_semantics<core_parallel>, #tpu.dimension_semantics<subcore_parallel>], iteration_bounds = array<i64: 2, 16>, scalar_prefetch = 0 : i64, scratch_operands = 16 : i64, tpu.core_type = #tpu.core_type<sc_vector_subcore>, window_params = [{transform_indices = #map}, {transform_indices = #map}, {transform_indices = #map1}, {transform_indices = #map1}, {transform_indices = #map}, {transform_indices = #map2}]} {
    %mul3A = arith.constant 16 : i32
    %mul3A_0 = arith.muli %arg0, %mul3A : i32
    %add3A = arith.addi %mul3A_0, %arg1 : i32
    %mul3A_1 = arith.constant 624 : i32
    %mul3A_2 = arith.muli %arg1, %mul3A_1 : i32
    %multiple_of3A = tpu.assume_multiple %mul3A_2, 8 : i32
    "tpu.region"() ({
      %run_scoped3A_101 = tpu.sem_alloc : memref<!tpu.dma_semaphore, #tpu.memory_space<semaphore_mem>>
      %dma_start3A_102 = arith.constant 0 : i32
      %dma_start3A_103 = tpu.memref_slice %arg16[%multiple_of3A, %dma_start3A_102] : memref<10000x128xf32, #tpu.memory_space<vmem_shared>> -> memref<624x128xf32, #tpu.memory_space<vmem_shared>>
      %dma_start3A_104 = arith.constant 0 : i32
      %dma_start3A_105 = tpu.memref_slice %arg6[%multiple_of3A, %dma_start3A_104] : memref<10000x128xf32, #tpu.memory_space<hbm>> -> memref<624x128xf32, #tpu.memory_space<hbm>>
      tpu.enqueue_dma source(%dma_start3A_105 : memref<624x128xf32, #tpu.memory_space<hbm>>) target(%dma_start3A_103 : memref<624x128xf32, #tpu.memory_space<vmem_shared>>) target_semaphore(%run_scoped3A_101 : memref<!tpu.dma_semaphore, #tpu.memory_space<semaphore_mem>>)
      %dma_wait3A_106 = arith.constant 0 : i32
      %dma_wait3A_107 = tpu.memref_slice %arg16[%multiple_of3A, %dma_wait3A_106] : memref<10000x128xf32, #tpu.memory_space<vmem_shared>> -> memref<624x128xf32, #tpu.memory_space<vmem_shared>>
      %dma_wait3A_108 = arith.constant 0 : i32
      %dma_wait3A_109 = tpu.memref_slice %arg6[%multiple_of3A, %dma_wait3A_108] : memref<10000x128xf32, #tpu.memory_space<hbm>> -> memref<624x128xf32, #tpu.memory_space<hbm>>
      tpu.wait_dma2 semaphore(%run_scoped3A_101 : memref<!tpu.dma_semaphore, #tpu.memory_space<semaphore_mem>>) src(%dma_wait3A_109 : memref<624x128xf32, #tpu.memory_space<hbm>>) dst(%dma_wait3A_107 : memref<624x128xf32, #tpu.memory_space<vmem_shared>>)
      tpu.yield
    }) : () -> ()
    %eq3A = arith.constant 0 : i32
    %eq3A_3 = arith.cmpi eq, %arg1, %eq3A : i32
    %convert_element_type3A = arith.extui %eq3A_3 : i1 to i32
    %cond3A = arith.constant 0 : i32
    %cond3A_4 = arith.cmpi ne, %convert_element_type3A, %cond3A : i32
    scf.if %cond3A_4 {
      "tpu.region"() ({
        %run_scoped3A_101 = tpu.sem_alloc : memref<!tpu.dma_semaphore, #tpu.memory_space<semaphore_mem>>
        %dma_start3A_102 = arith.constant 9984 : i32
        %dma_start3A_103 = arith.constant 0 : i32
        %dma_start3A_104 = tpu.memref_slice %arg16[%dma_start3A_102, %dma_start3A_103] : memref<10000x128xf32, #tpu.memory_space<vmem_shared>> -> memref<16x128xf32, #tpu.memory_space<vmem_shared>>
        %dma_start3A_105 = arith.constant 9984 : i32
        %dma_start3A_106 = arith.constant 0 : i32
        %dma_start3A_107 = tpu.memref_slice %arg6[%dma_start3A_105, %dma_start3A_106] : memref<10000x128xf32, #tpu.memory_space<hbm>> -> memref<16x128xf32, #tpu.memory_space<hbm>>
        tpu.enqueue_dma source(%dma_start3A_107 : memref<16x128xf32, #tpu.memory_space<hbm>>) target(%dma_start3A_104 : memref<16x128xf32, #tpu.memory_space<vmem_shared>>) target_semaphore(%run_scoped3A_101 : memref<!tpu.dma_semaphore, #tpu.memory_space<semaphore_mem>>)
        %dma_wait3A_108 = arith.constant 9984 : i32
        %dma_wait3A_109 = arith.constant 0 : i32
        %dma_wait3A_110 = tpu.memref_slice %arg16[%dma_wait3A_108, %dma_wait3A_109] : memref<10000x128xf32, #tpu.memory_space<vmem_shared>> -> memref<16x128xf32, #tpu.memory_space<vmem_shared>>
        %dma_wait3A_111 = arith.constant 9984 : i32
        %dma_wait3A_112 = arith.constant 0 : i32
        %dma_wait3A_113 = tpu.memref_slice %arg6[%dma_wait3A_111, %dma_wait3A_112] : memref<10000x128xf32, #tpu.memory_space<hbm>> -> memref<16x128xf32, #tpu.memory_space<hbm>>
        tpu.wait_dma2 semaphore(%run_scoped3A_101 : memref<!tpu.dma_semaphore, #tpu.memory_space<semaphore_mem>>) src(%dma_wait3A_113 : memref<16x128xf32, #tpu.memory_space<hbm>>) dst(%dma_wait3A_110 : memref<16x128xf32, #tpu.memory_space<vmem_shared>>)
        tpu.yield
      }) : () -> ()
    } else {
    }
    %run_scoped3A = arith.constant 0 : i32
    %run_scoped3A_5 = arith.constant 0 : i32
    "tpu.region"() ({
      %run_scoped3A_101 = tpu.sem_alloc : memref<!tpu.dma_semaphore, #tpu.memory_space<semaphore_mem>>
      %dma_start3A_102 = arith.constant 0 : i32
      %dma_start3A_103 = arith.constant 0 : i32
      %dma_start3A_104 = tpu.memref_slice %arg8[%run_scoped3A_5, %dma_start3A_102, %dma_start3A_103] : memref<3x10x40xi32, #tpu.memory_space<vmem>> -> memref<1x10x40xi32, #tpu.memory_space<vmem>>
      %dma_start3A_105 = tpu.memref_squeeze %dma_start3A_104 : memref<1x10x40xi32, #tpu.memory_space<vmem>> -> memref<10x40xi32, #tpu.memory_space<vmem>>
      %dma_start3A_106 = arith.constant 0 : i32
      %dma_start3A_107 = arith.constant 0 : i32
      %dma_start3A_108 = tpu.memref_slice %arg4[%add3A, %run_scoped3A, %dma_start3A_106, %dma_start3A_107] : memref<32x25x10x40xi32, #tpu.memory_space<hbm>> -> memref<1x1x10x40xi32, #tpu.memory_space<hbm>>
      %dma_start3A_109 = tpu.memref_squeeze %dma_start3A_108 : memref<1x1x10x40xi32, #tpu.memory_space<hbm>> -> memref<10x40xi32, #tpu.memory_space<hbm>>
      %dma_start3A_110 = arith.constant 0 : i32
      %dma_start3A_111 = arith.constant 0 : i32
      %dma_start3A_112 = tpu.memref_slice %arg8[%run_scoped3A_5, %dma_start3A_110, %dma_start3A_111] : memref<3x10x40xi32, #tpu.memory_space<vmem>> -> memref<1x10x40xi32, #tpu.memory_space<vmem>>
      %dma_start3A_113 = tpu.memref_squeeze %dma_start3A_112 : memref<1x10x40xi32, #tpu.memory_space<vmem>> -> memref<10x40xi32, #tpu.memory_space<vmem>>
      %dma_start3A_114 = arith.constant 0 : i32
      %dma_start3A_115 = arith.constant 0 : i32
      %dma_start3A_116 = tpu.memref_slice %arg4[%add3A, %run_scoped3A, %dma_start3A_114, %dma_start3A_115] : memref<32x25x10x40xi32, #tpu.memory_space<hbm>> -> memref<1x1x10x40xi32, #tpu.memory_space<hbm>>
      %dma_start3A_117 = tpu.memref_squeeze %dma_start3A_116 : memref<1x1x10x40xi32, #tpu.memory_space<hbm>> -> memref<10x40xi32, #tpu.memory_space<hbm>>
      tpu.enqueue_dma source(%dma_start3A_117 : memref<10x40xi32, #tpu.memory_space<hbm>>) target(%dma_start3A_113 : memref<10x40xi32, #tpu.memory_space<vmem>>) target_semaphore(%run_scoped3A_101 : memref<!tpu.dma_semaphore, #tpu.memory_space<semaphore_mem>>)
      %dma_wait3A_118 = arith.constant 0 : i32
      %dma_wait3A_119 = arith.constant 0 : i32
      %dma_wait3A_120 = tpu.memref_slice %arg8[%run_scoped3A_5, %dma_wait3A_118, %dma_wait3A_119] : memref<3x10x40xi32, #tpu.memory_space<vmem>> -> memref<1x10x40xi32, #tpu.memory_space<vmem>>
      %dma_wait3A_121 = tpu.memref_squeeze %dma_wait3A_120 : memref<1x10x40xi32, #tpu.memory_space<vmem>> -> memref<10x40xi32, #tpu.memory_space<vmem>>
      %dma_wait3A_122 = arith.constant 0 : i32
      %dma_wait3A_123 = arith.constant 0 : i32
      %dma_wait3A_124 = tpu.memref_slice %arg4[%add3A, %run_scoped3A, %dma_wait3A_122, %dma_wait3A_123] : memref<32x25x10x40xi32, #tpu.memory_space<hbm>> -> memref<1x1x10x40xi32, #tpu.memory_space<hbm>>
      %dma_wait3A_125 = tpu.memref_squeeze %dma_wait3A_124 : memref<1x1x10x40xi32, #tpu.memory_space<hbm>> -> memref<10x40xi32, #tpu.memory_space<hbm>>
      %dma_wait3A_126 = arith.constant 0 : i32
      %dma_wait3A_127 = arith.constant 0 : i32
      %dma_wait3A_128 = tpu.memref_slice %arg8[%run_scoped3A_5, %dma_wait3A_126, %dma_wait3A_127] : memref<3x10x40xi32, #tpu.memory_space<vmem>> -> memref<1x10x40xi32, #tpu.memory_space<vmem>>
      %dma_wait3A_129 = tpu.memref_squeeze %dma_wait3A_128 : memref<1x10x40xi32, #tpu.memory_space<vmem>> -> memref<10x40xi32, #tpu.memory_space<vmem>>
      %dma_wait3A_130 = arith.constant 0 : i32
      %dma_wait3A_131 = arith.constant 0 : i32
      %dma_wait3A_132 = tpu.memref_slice %arg4[%add3A, %run_scoped3A, %dma_wait3A_130, %dma_wait3A_131] : memref<32x25x10x40xi32, #tpu.memory_space<hbm>> -> memref<1x1x10x40xi32, #tpu.memory_space<hbm>>
      %dma_wait3A_133 = tpu.memref_squeeze %dma_wait3A_132 : memref<1x1x10x40xi32, #tpu.memory_space<hbm>> -> memref<10x40xi32, #tpu.memory_space<hbm>>
      tpu.wait_dma2 semaphore(%run_scoped3A_101 : memref<!tpu.dma_semaphore, #tpu.memory_space<semaphore_mem>>) src(%dma_wait3A_133 : memref<10x40xi32, #tpu.memory_space<hbm>>) dst(%dma_wait3A_129 : memref<10x40xi32, #tpu.memory_space<vmem>>)
      tpu.yield
    }) : () -> ()
    %run_scoped3A_6 = arith.constant 0 : i32
    %run_scoped3A_7 = arith.constant 0 : i32
    "tpu.region"() ({
      %run_scoped3A_101 = tpu.sem_alloc : memref<!tpu.dma_semaphore, #tpu.memory_space<semaphore_mem>>
      %dma_start3A_102 = arith.constant 0 : i32
      %dma_start3A_103 = arith.constant 0 : i32
      %dma_start3A_104 = tpu.memref_slice %arg9[%run_scoped3A_7, %dma_start3A_102, %dma_start3A_103] : memref<3x10x40xi32, #tpu.memory_space<vmem>> -> memref<1x10x40xi32, #tpu.memory_space<vmem>>
      %dma_start3A_105 = tpu.memref_squeeze %dma_start3A_104 : memref<1x10x40xi32, #tpu.memory_space<vmem>> -> memref<10x40xi32, #tpu.memory_space<vmem>>
      %dma_start3A_106 = arith.constant 0 : i32
      %dma_start3A_107 = arith.constant 0 : i32
      %dma_start3A_108 = tpu.memref_slice %arg5[%add3A, %run_scoped3A_6, %dma_start3A_106, %dma_start3A_107] : memref<32x25x10x40xi32, #tpu.memory_space<hbm>> -> memref<1x1x10x40xi32, #tpu.memory_space<hbm>>
      %dma_start3A_109 = tpu.memref_squeeze %dma_start3A_108 : memref<1x1x10x40xi32, #tpu.memory_space<hbm>> -> memref<10x40xi32, #tpu.memory_space<hbm>>
      %dma_start3A_110 = arith.constant 0 : i32
      %dma_start3A_111 = arith.constant 0 : i32
      %dma_start3A_112 = tpu.memref_slice %arg9[%run_scoped3A_7, %dma_start3A_110, %dma_start3A_111] : memref<3x10x40xi32, #tpu.memory_space<vmem>> -> memref<1x10x40xi32, #tpu.memory_space<vmem>>
      %dma_start3A_113 = tpu.memref_squeeze %dma_start3A_112 : memref<1x10x40xi32, #tpu.memory_space<vmem>> -> memref<10x40xi32, #tpu.memory_space<vmem>>
      %dma_start3A_114 = arith.constant 0 : i32
      %dma_start3A_115 = arith.constant 0 : i32
      %dma_start3A_116 = tpu.memref_slice %arg5[%add3A, %run_scoped3A_6, %dma_start3A_114, %dma_start3A_115] : memref<32x25x10x40xi32, #tpu.memory_space<hbm>> -> memref<1x1x10x40xi32, #tpu.memory_space<hbm>>
      %dma_start3A_117 = tpu.memref_squeeze %dma_start3A_116 : memref<1x1x10x40xi32, #tpu.memory_space<hbm>> -> memref<10x40xi32, #tpu.memory_space<hbm>>
      tpu.enqueue_dma source(%dma_start3A_117 : memref<10x40xi32, #tpu.memory_space<hbm>>) target(%dma_start3A_113 : memref<10x40xi32, #tpu.memory_space<vmem>>) target_semaphore(%run_scoped3A_101 : memref<!tpu.dma_semaphore, #tpu.memory_space<semaphore_mem>>)
      %dma_wait3A_118 = arith.constant 0 : i32
      %dma_wait3A_119 = arith.constant 0 : i32
      %dma_wait3A_120 = tpu.memref_slice %arg9[%run_scoped3A_7, %dma_wait3A_118, %dma_wait3A_119] : memref<3x10x40xi32, #tpu.memory_space<vmem>> -> memref<1x10x40xi32, #tpu.memory_space<vmem>>
      %dma_wait3A_121 = tpu.memref_squeeze %dma_wait3A_120 : memref<1x10x40xi32, #tpu.memory_space<vmem>> -> memref<10x40xi32, #tpu.memory_space<vmem>>
      %dma_wait3A_122 = arith.constant 0 : i32
      %dma_wait3A_123 = arith.constant 0 : i32
      %dma_wait3A_124 = tpu.memref_slice %arg5[%add3A, %run_scoped3A_6, %dma_wait3A_122, %dma_wait3A_123] : memref<32x25x10x40xi32, #tpu.memory_space<hbm>> -> memref<1x1x10x40xi32, #tpu.memory_space<hbm>>
      %dma_wait3A_125 = tpu.memref_squeeze %dma_wait3A_124 : memref<1x1x10x40xi32, #tpu.memory_space<hbm>> -> memref<10x40xi32, #tpu.memory_space<hbm>>
      %dma_wait3A_126 = arith.constant 0 : i32
      %dma_wait3A_127 = arith.constant 0 : i32
      %dma_wait3A_128 = tpu.memref_slice %arg9[%run_scoped3A_7, %dma_wait3A_126, %dma_wait3A_127] : memref<3x10x40xi32, #tpu.memory_space<vmem>> -> memref<1x10x40xi32, #tpu.memory_space<vmem>>
      %dma_wait3A_129 = tpu.memref_squeeze %dma_wait3A_128 : memref<1x10x40xi32, #tpu.memory_space<vmem>> -> memref<10x40xi32, #tpu.memory_space<vmem>>
      %dma_wait3A_130 = arith.constant 0 : i32
      %dma_wait3A_131 = arith.constant 0 : i32
      %dma_wait3A_132 = tpu.memref_slice %arg5[%add3A, %run_scoped3A_6, %dma_wait3A_130, %dma_wait3A_131] : memref<32x25x10x40xi32, #tpu.memory_space<hbm>> -> memref<1x1x10x40xi32, #tpu.memory_space<hbm>>
      %dma_wait3A_133 = tpu.memref_squeeze %dma_wait3A_132 : memref<1x1x10x40xi32, #tpu.memory_space<hbm>> -> memref<10x40xi32, #tpu.memory_space<hbm>>
      tpu.wait_dma2 semaphore(%run_scoped3A_101 : memref<!tpu.dma_semaphore, #tpu.memory_space<semaphore_mem>>) src(%dma_wait3A_133 : memref<10x40xi32, #tpu.memory_space<hbm>>) dst(%dma_wait3A_129 : memref<10x40xi32, #tpu.memory_space<vmem>>)
      tpu.yield
    }) : () -> ()
    %dma_start3A = arith.constant 1 : i32
    %dma_start3A_8 = arith.constant 1 : i32
    %dma_start3A_9 = arith.constant 0 : i32
    %dma_start3A_10 = arith.constant 0 : i32
    %dma_start3A_11 = tpu.memref_slice %arg8[%dma_start3A_8, %dma_start3A_9, %dma_start3A_10] : memref<3x10x40xi32, #tpu.memory_space<vmem>> -> memref<1x10x40xi32, #tpu.memory_space<vmem>>
    %dma_start3A_12 = tpu.memref_squeeze %dma_start3A_11 : memref<1x10x40xi32, #tpu.memory_space<vmem>> -> memref<10x40xi32, #tpu.memory_space<vmem>>
    %dma_start3A_13 = arith.constant 0 : i32
    %dma_start3A_14 = arith.constant 0 : i32
    %dma_start3A_15 = tpu.memref_slice %arg4[%add3A, %dma_start3A, %dma_start3A_13, %dma_start3A_14] : memref<32x25x10x40xi32, #tpu.memory_space<hbm>> -> memref<1x1x10x40xi32, #tpu.memory_space<hbm>>
    %dma_start3A_16 = tpu.memref_squeeze %dma_start3A_15 : memref<1x1x10x40xi32, #tpu.memory_space<hbm>> -> memref<10x40xi32, #tpu.memory_space<hbm>>
    %dma_start3A_17 = arith.constant 0 : i32
    %dma_start3A_18 = arith.constant 0 : i32
    %dma_start3A_19 = tpu.memref_slice %arg8[%dma_start3A_8, %dma_start3A_17, %dma_start3A_18] : memref<3x10x40xi32, #tpu.memory_space<vmem>> -> memref<1x10x40xi32, #tpu.memory_space<vmem>>
    %dma_start3A_20 = tpu.memref_squeeze %dma_start3A_19 : memref<1x10x40xi32, #tpu.memory_space<vmem>> -> memref<10x40xi32, #tpu.memory_space<vmem>>
    %dma_start3A_21 = arith.constant 0 : i32
    %dma_start3A_22 = arith.constant 0 : i32
    %dma_start3A_23 = tpu.memref_slice %arg4[%add3A, %dma_start3A, %dma_start3A_21, %dma_start3A_22] : memref<32x25x10x40xi32, #tpu.memory_space<hbm>> -> memref<1x1x10x40xi32, #tpu.memory_space<hbm>>
    %dma_start3A_24 = tpu.memref_squeeze %dma_start3A_23 : memref<1x1x10x40xi32, #tpu.memory_space<hbm>> -> memref<10x40xi32, #tpu.memory_space<hbm>>
    tpu.enqueue_dma source(%dma_start3A_24 : memref<10x40xi32, #tpu.memory_space<hbm>>) target(%dma_start3A_20 : memref<10x40xi32, #tpu.memory_space<vmem>>) target_semaphore(%arg23 : memref<!tpu.dma_semaphore, #tpu.memory_space<semaphore_mem>>)
    %dma_start3A_25 = arith.constant 1 : i32
    %dma_start3A_26 = arith.constant 1 : i32
    %dma_start3A_27 = arith.constant 0 : i32
    %dma_start3A_28 = arith.constant 0 : i32
    %dma_start3A_29 = tpu.memref_slice %arg9[%dma_start3A_26, %dma_start3A_27, %dma_start3A_28] : memref<3x10x40xi32, #tpu.memory_space<vmem>> -> memref<1x10x40xi32, #tpu.memory_space<vmem>>
    %dma_start3A_30 = tpu.memref_squeeze %dma_start3A_29 : memref<1x10x40xi32, #tpu.memory_space<vmem>> -> memref<10x40xi32, #tpu.memory_space<vmem>>
    %dma_start3A_31 = arith.constant 0 : i32
    %dma_start3A_32 = arith.constant 0 : i32
    %dma_start3A_33 = tpu.memref_slice %arg5[%add3A, %dma_start3A_25, %dma_start3A_31, %dma_start3A_32] : memref<32x25x10x40xi32, #tpu.memory_space<hbm>> -> memref<1x1x10x40xi32, #tpu.memory_space<hbm>>
    %dma_start3A_34 = tpu.memref_squeeze %dma_start3A_33 : memref<1x1x10x40xi32, #tpu.memory_space<hbm>> -> memref<10x40xi32, #tpu.memory_space<hbm>>
    %dma_start3A_35 = arith.constant 0 : i32
    %dma_start3A_36 = arith.constant 0 : i32
    %dma_start3A_37 = tpu.memref_slice %arg9[%dma_start3A_26, %dma_start3A_35, %dma_start3A_36] : memref<3x10x40xi32, #tpu.memory_space<vmem>> -> memref<1x10x40xi32, #tpu.memory_space<vmem>>
    %dma_start3A_38 = tpu.memref_squeeze %dma_start3A_37 : memref<1x10x40xi32, #tpu.memory_space<vmem>> -> memref<10x40xi32, #tpu.memory_space<vmem>>
    %dma_start3A_39 = arith.constant 0 : i32
    %dma_start3A_40 = arith.constant 0 : i32
    %dma_start3A_41 = tpu.memref_slice %arg5[%add3A, %dma_start3A_25, %dma_start3A_39, %dma_start3A_40] : memref<32x25x10x40xi32, #tpu.memory_space<hbm>> -> memref<1x1x10x40xi32, #tpu.memory_space<hbm>>
    %dma_start3A_42 = tpu.memref_squeeze %dma_start3A_41 : memref<1x1x10x40xi32, #tpu.memory_space<hbm>> -> memref<10x40xi32, #tpu.memory_space<hbm>>
    tpu.enqueue_dma source(%dma_start3A_42 : memref<10x40xi32, #tpu.memory_space<hbm>>) target(%dma_start3A_38 : memref<10x40xi32, #tpu.memory_space<vmem>>) target_semaphore(%arg23 : memref<!tpu.dma_semaphore, #tpu.memory_space<semaphore_mem>>)
    %mul3A_43 = arith.constant 10000 : i32
    %mul3A_44 = arith.muli %add3A, %mul3A_43 : i32
    %add3A_45 = arith.constant 0 : i32
    %add3A_46 = arith.addi %mul3A_44, %add3A_45 : i32
    %multiple_of3A_47 = tpu.assume_multiple %add3A_46, 8 : i32
    %dma_start3A_48 = arith.constant 0 : i32
    %dma_start3A_49 = tpu.memref_slice %arg3[%multiple_of3A_47, %dma_start3A_48] : memref<320000x128xf32, #tpu.memory_space<hbm>> -> memref<40x128xf32, #tpu.memory_space<hbm>>
    %dma_start3A_50 = arith.constant 0 : i32
    %dma_start3A_51 = tpu.memref_slice %arg3[%multiple_of3A_47, %dma_start3A_50] : memref<320000x128xf32, #tpu.memory_space<hbm>> -> memref<40x128xf32, #tpu.memory_space<hbm>>
    tpu.enqueue_dma source(%dma_start3A_51 : memref<40x128xf32, #tpu.memory_space<hbm>>) target(%arg10 : memref<40x128xf32, #tpu.memory_space<vmem>>) target_semaphore(%arg17 : memref<!tpu.dma_semaphore, #tpu.memory_space<semaphore_mem>>)
    %mul3A_52 = arith.constant 10000 : i32
    %mul3A_53 = arith.muli %add3A, %mul3A_52 : i32
    %add3A_54 = arith.constant 40 : i32
    %add3A_55 = arith.addi %mul3A_53, %add3A_54 : i32
    %multiple_of3A_56 = tpu.assume_multiple %add3A_55, 8 : i32
    %dma_start3A_57 = arith.constant 0 : i32
    %dma_start3A_58 = tpu.memref_slice %arg3[%multiple_of3A_56, %dma_start3A_57] : memref<320000x128xf32, #tpu.memory_space<hbm>> -> memref<40x128xf32, #tpu.memory_space<hbm>>
    %dma_start3A_59 = arith.constant 0 : i32
    %dma_start3A_60 = tpu.memref_slice %arg3[%multiple_of3A_56, %dma_start3A_59] : memref<320000x128xf32, #tpu.memory_space<hbm>> -> memref<40x128xf32, #tpu.memory_space<hbm>>
    tpu.enqueue_dma source(%dma_start3A_60 : memref<40x128xf32, #tpu.memory_space<hbm>>) target(%arg11 : memref<40x128xf32, #tpu.memory_space<vmem>>) target_semaphore(%arg18 : memref<!tpu.dma_semaphore, #tpu.memory_space<semaphore_mem>>)
    %div3A = arith.constant 0 : i32
    %div3A_61 = arith.constant 10 : i32
    %div3A_62 = arith.divsi %div3A, %div3A_61 : i32
    %rem3A = arith.constant 3 : i32
    %rem3A_63 = arith.remsi %div3A_62, %rem3A : i32
    %rem3A_64 = arith.constant 0 : i32
    %rem3A_65 = arith.constant 10 : i32
    %rem3A_66 = arith.remsi %rem3A_64, %rem3A_65 : i32
    %dma_start3A_67 = arith.constant 0 : i32
    %dma_start3A_68 = tpu.memref_slice %arg8[%rem3A_63, %rem3A_66, %dma_start3A_67] : memref<3x10x40xi32, #tpu.memory_space<vmem>> -> memref<1x1x40xi32, #tpu.memory_space<vmem>>
    %dma_start3A_69 = tpu.memref_squeeze %dma_start3A_68 : memref<1x1x40xi32, #tpu.memory_space<vmem>> -> memref<40xi32, #tpu.memory_space<vmem>>
    %dma_start3A_70 = arith.constant 0 : i32
    %dma_start3A_71 = arith.constant 0 : i32
    %dma_start3A_72 = tpu.memref_slice %arg2[%dma_start3A_70, %dma_start3A_71] : memref<10000x128xf32, #tpu.memory_space<hbm>> -> memref<10000x128xf32, #tpu.memory_space<hbm>>
    tpu.enqueue_indirect_dma source(%dma_start3A_72 : memref<10000x128xf32, #tpu.memory_space<hbm>>) target(%arg12 : memref<40x128xf32, #tpu.memory_space<vmem>>) offsets(%dma_start3A_69 : memref<40xi32, #tpu.memory_space<vmem>>) semaphore(%arg19 : memref<!tpu.dma_semaphore, #tpu.memory_space<semaphore_mem>>)
    %dma_start3A_73 = arith.constant 0 : i32
    %dma_start3A_74 = tpu.memref_slice %arg9[%rem3A_63, %rem3A_66, %dma_start3A_73] : memref<3x10x40xi32, #tpu.memory_space<vmem>> -> memref<1x1x40xi32, #tpu.memory_space<vmem>>
    %dma_start3A_75 = tpu.memref_squeeze %dma_start3A_74 : memref<1x1x40xi32, #tpu.memory_space<vmem>> -> memref<40xi32, #tpu.memory_space<vmem>>
    %dma_start3A_76 = arith.constant 0 : i32
    %dma_start3A_77 = arith.constant 0 : i32
    %dma_start3A_78 = tpu.memref_slice %arg2[%dma_start3A_76, %dma_start3A_77] : memref<10000x128xf32, #tpu.memory_space<hbm>> -> memref<10000x128xf32, #tpu.memory_space<hbm>>
    tpu.enqueue_indirect_dma source(%dma_start3A_78 : memref<10000x128xf32, #tpu.memory_space<hbm>>) target(%arg14 : memref<40x128xf32, #tpu.memory_space<vmem>>) offsets(%dma_start3A_75 : memref<40xi32, #tpu.memory_space<vmem>>) semaphore(%arg19 : memref<!tpu.dma_semaphore, #tpu.memory_space<semaphore_mem>>)
    %barrier3A = arith.constant 0 : index
    tpu.barrier barrier_id(%barrier3A)
    %scan3A = arith.constant 0 : i32
    %scan3A_79 = arith.constant 0 : i32
    %scan3A_80 = arith.constant 125 : i32
    %scan3A_81 = arith.addi %scan3A_79, %scan3A_80 : i32
    %scan3A_82 = arith.constant 1 : i32
    scf.for %scan3A_101 = %scan3A_79 to %scan3A_81 step %scan3A_82  : i32 {
      %mul3A_102 = arith.constant 2 : i32
      %mul3A_103 = arith.muli %scan3A_101, %mul3A_102 : i32
      %add3A_104 = arith.constant 0 : i32
      %add3A_105 = arith.addi %mul3A_103, %add3A_104 : i32
      %ge3A = arith.constant 1 : i32
      %ge3A_106 = arith.cmpi sge, %add3A_105, %ge3A : i32
      %convert_element_type3A_107 = arith.extui %ge3A_106 : i1 to i32
      %cond3A_108 = arith.constant 0 : i32
      %cond3A_109 = arith.cmpi ne, %convert_element_type3A_107, %cond3A_108 : i32
      scf.if %cond3A_109 {
        %dma_wait3A_229 = arith.constant 0 : i32
        %dma_wait3A_230 = arith.constant 0 : i32
        %dma_wait3A_231 = tpu.memref_slice %arg3[%dma_wait3A_229, %dma_wait3A_230] : memref<320000x128xf32, #tpu.memory_space<hbm>> -> memref<40x128xf32, #tpu.memory_space<hbm>>
        %dma_wait3A_232 = arith.constant 0 : i32
        %dma_wait3A_233 = arith.constant 0 : i32
        %dma_wait3A_234 = tpu.memref_slice %arg3[%dma_wait3A_232, %dma_wait3A_233] : memref<320000x128xf32, #tpu.memory_space<hbm>> -> memref<40x128xf32, #tpu.memory_space<hbm>>
        tpu.wait_dma2 semaphore(%arg22 : memref<!tpu.dma_semaphore, #tpu.memory_space<semaphore_mem>>) src(%dma_wait3A_234 : memref<40x128xf32, #tpu.memory_space<hbm>>) dst(%arg13 : memref<40x128xf32, #tpu.memory_space<vmem>>)
        %dma_wait3A_235 = arith.constant 0 : i32
        %dma_wait3A_236 = arith.constant 0 : i32
        %dma_wait3A_237 = tpu.memref_slice %arg3[%dma_wait3A_235, %dma_wait3A_236] : memref<320000x128xf32, #tpu.memory_space<hbm>> -> memref<40x128xf32, #tpu.memory_space<hbm>>
        %dma_wait3A_238 = arith.constant 0 : i32
        %dma_wait3A_239 = arith.constant 0 : i32
        %dma_wait3A_240 = tpu.memref_slice %arg3[%dma_wait3A_238, %dma_wait3A_239] : memref<320000x128xf32, #tpu.memory_space<hbm>> -> memref<40x128xf32, #tpu.memory_space<hbm>>
        tpu.wait_dma2 semaphore(%arg22 : memref<!tpu.dma_semaphore, #tpu.memory_space<semaphore_mem>>) src(%dma_wait3A_240 : memref<40x128xf32, #tpu.memory_space<hbm>>) dst(%arg15 : memref<40x128xf32, #tpu.memory_space<vmem>>)
      } else {
      }
      %add3A_110 = arith.constant 1 : i32
      %add3A_111 = arith.addi %add3A_105, %add3A_110 : i32
      %lt3A = arith.constant 250 : i32
      %lt3A_112 = arith.cmpi slt, %add3A_111, %lt3A : i32
      %convert_element_type3A_113 = arith.extui %lt3A_112 : i1 to i32
      %cond3A_114 = arith.constant 0 : i32
      %cond3A_115 = arith.cmpi ne, %convert_element_type3A_113, %cond3A_114 : i32
      scf.if %cond3A_115 {
        %rem3A_229 = arith.constant 10 : i32
        %rem3A_230 = arith.remsi %add3A_111, %rem3A_229 : i32
        %eq3A_231 = arith.constant 0 : i32
        %eq3A_232 = arith.cmpi eq, %rem3A_230, %eq3A_231 : i32
        %convert_element_type3A_233 = arith.extui %eq3A_232 : i1 to i32
        %cond3A_234 = arith.constant 0 : i32
        %cond3A_235 = arith.cmpi ne, %convert_element_type3A_233, %cond3A_234 : i32
        scf.if %cond3A_235 {
          %dma_wait3A_254 = arith.constant 0 : i32
          %dma_wait3A_255 = arith.constant 0 : i32
          %dma_wait3A_256 = arith.constant 0 : i32
          %dma_wait3A_257 = arith.constant 0 : i32
          %dma_wait3A_258 = arith.constant 0 : i32
          %dma_wait3A_259 = tpu.memref_slice %arg8[%dma_wait3A_256, %dma_wait3A_257, %dma_wait3A_258] : memref<3x10x40xi32, #tpu.memory_space<vmem>> -> memref<1x10x40xi32, #tpu.memory_space<vmem>>
          %dma_wait3A_260 = tpu.memref_squeeze %dma_wait3A_259 : memref<1x10x40xi32, #tpu.memory_space<vmem>> -> memref<10x40xi32, #tpu.memory_space<vmem>>
          %dma_wait3A_261 = arith.constant 0 : i32
          %dma_wait3A_262 = arith.constant 0 : i32
          %dma_wait3A_263 = tpu.memref_slice %arg4[%dma_wait3A_254, %dma_wait3A_255, %dma_wait3A_261, %dma_wait3A_262] : memref<32x25x10x40xi32, #tpu.memory_space<hbm>> -> memref<1x1x10x40xi32, #tpu.memory_space<hbm>>
          %dma_wait3A_264 = tpu.memref_squeeze %dma_wait3A_263 : memref<1x1x10x40xi32, #tpu.memory_space<hbm>> -> memref<10x40xi32, #tpu.memory_space<hbm>>
          %dma_wait3A_265 = arith.constant 0 : i32
          %dma_wait3A_266 = arith.constant 0 : i32
          %dma_wait3A_267 = tpu.memref_slice %arg8[%dma_wait3A_256, %dma_wait3A_265, %dma_wait3A_266] : memref<3x10x40xi32, #tpu.memory_space<vmem>> -> memref<1x10x40xi32, #tpu.memory_space<vmem>>
          %dma_wait3A_268 = tpu.memref_squeeze %dma_wait3A_267 : memref<1x10x40xi32, #tpu.memory_space<vmem>> -> memref<10x40xi32, #tpu.memory_space<vmem>>
          %dma_wait3A_269 = arith.constant 0 : i32
          %dma_wait3A_270 = arith.constant 0 : i32
          %dma_wait3A_271 = tpu.memref_slice %arg4[%dma_wait3A_254, %dma_wait3A_255, %dma_wait3A_269, %dma_wait3A_270] : memref<32x25x10x40xi32, #tpu.memory_space<hbm>> -> memref<1x1x10x40xi32, #tpu.memory_space<hbm>>
          %dma_wait3A_272 = tpu.memref_squeeze %dma_wait3A_271 : memref<1x1x10x40xi32, #tpu.memory_space<hbm>> -> memref<10x40xi32, #tpu.memory_space<hbm>>
          tpu.wait_dma2 semaphore(%arg23 : memref<!tpu.dma_semaphore, #tpu.memory_space<semaphore_mem>>) src(%dma_wait3A_272 : memref<10x40xi32, #tpu.memory_space<hbm>>) dst(%dma_wait3A_268 : memref<10x40xi32, #tpu.memory_space<vmem>>)
          %dma_wait3A_273 = arith.constant 0 : i32
          %dma_wait3A_274 = arith.constant 0 : i32
          %dma_wait3A_275 = arith.constant 0 : i32
          %dma_wait3A_276 = arith.constant 0 : i32
          %dma_wait3A_277 = arith.constant 0 : i32
          %dma_wait3A_278 = tpu.memref_slice %arg9[%dma_wait3A_275, %dma_wait3A_276, %dma_wait3A_277] : memref<3x10x40xi32, #tpu.memory_space<vmem>> -> memref<1x10x40xi32, #tpu.memory_space<vmem>>
          %dma_wait3A_279 = tpu.memref_squeeze %dma_wait3A_278 : memref<1x10x40xi32, #tpu.memory_space<vmem>> -> memref<10x40xi32, #tpu.memory_space<vmem>>
          %dma_wait3A_280 = arith.constant 0 : i32
          %dma_wait3A_281 = arith.constant 0 : i32
          %dma_wait3A_282 = tpu.memref_slice %arg5[%dma_wait3A_273, %dma_wait3A_274, %dma_wait3A_280, %dma_wait3A_281] : memref<32x25x10x40xi32, #tpu.memory_space<hbm>> -> memref<1x1x10x40xi32, #tpu.memory_space<hbm>>
          %dma_wait3A_283 = tpu.memref_squeeze %dma_wait3A_282 : memref<1x1x10x40xi32, #tpu.memory_space<hbm>> -> memref<10x40xi32, #tpu.memory_space<hbm>>
          %dma_wait3A_284 = arith.constant 0 : i32
          %dma_wait3A_285 = arith.constant 0 : i32
          %dma_wait3A_286 = tpu.memref_slice %arg9[%dma_wait3A_275, %dma_wait3A_284, %dma_wait3A_285] : memref<3x10x40xi32, #tpu.memory_space<vmem>> -> memref<1x10x40xi32, #tpu.memory_space<vmem>>
          %dma_wait3A_287 = tpu.memref_squeeze %dma_wait3A_286 : memref<1x10x40xi32, #tpu.memory_space<vmem>> -> memref<10x40xi32, #tpu.memory_space<vmem>>
          %dma_wait3A_288 = arith.constant 0 : i32
          %dma_wait3A_289 = arith.constant 0 : i32
          %dma_wait3A_290 = tpu.memref_slice %arg5[%dma_wait3A_273, %dma_wait3A_274, %dma_wait3A_288, %dma_wait3A_289] : memref<32x25x10x40xi32, #tpu.memory_space<hbm>> -> memref<1x1x10x40xi32, #tpu.memory_space<hbm>>
          %dma_wait3A_291 = tpu.memref_squeeze %dma_wait3A_290 : memref<1x1x10x40xi32, #tpu.memory_space<hbm>> -> memref<10x40xi32, #tpu.memory_space<hbm>>
          tpu.wait_dma2 semaphore(%arg23 : memref<!tpu.dma_semaphore, #tpu.memory_space<semaphore_mem>>) src(%dma_wait3A_291 : memref<10x40xi32, #tpu.memory_space<hbm>>) dst(%dma_wait3A_287 : memref<10x40xi32, #tpu.memory_space<vmem>>)
          %div3A_292 = arith.constant 10 : i32
          %div3A_293 = arith.divsi %add3A_111, %div3A_292 : i32
          %add3A_294 = arith.constant 1 : i32
          %add3A_295 = arith.addi %div3A_293, %add3A_294 : i32
          %lt3A_296 = arith.constant 25 : i32
          %lt3A_297 = arith.cmpi slt, %add3A_295, %lt3A_296 : i32
          %convert_element_type3A_298 = arith.extui %lt3A_297 : i1 to i32
          %cond3A_299 = arith.constant 0 : i32
          %cond3A_300 = arith.cmpi ne, %convert_element_type3A_298, %cond3A_299 : i32
          scf.if %cond3A_300 {
            %rem3A_301 = arith.constant 3 : i32
            %rem3A_302 = arith.remsi %add3A_295, %rem3A_301 : i32
            %dma_start3A_303 = arith.constant 0 : i32
            %dma_start3A_304 = arith.constant 0 : i32
            %dma_start3A_305 = tpu.memref_slice %arg8[%rem3A_302, %dma_start3A_303, %dma_start3A_304] : memref<3x10x40xi32, #tpu.memory_space<vmem>> -> memref<1x10x40xi32, #tpu.memory_space<vmem>>
            %dma_start3A_306 = tpu.memref_squeeze %dma_start3A_305 : memref<1x10x40xi32, #tpu.memory_space<vmem>> -> memref<10x40xi32, #tpu.memory_space<vmem>>
            %dma_start3A_307 = arith.constant 0 : i32
            %dma_start3A_308 = arith.constant 0 : i32
            %dma_start3A_309 = tpu.memref_slice %arg4[%add3A, %add3A_295, %dma_start3A_307, %dma_start3A_308] : memref<32x25x10x40xi32, #tpu.memory_space<hbm>> -> memref<1x1x10x40xi32, #tpu.memory_space<hbm>>
            %dma_start3A_310 = tpu.memref_squeeze %dma_start3A_309 : memref<1x1x10x40xi32, #tpu.memory_space<hbm>> -> memref<10x40xi32, #tpu.memory_space<hbm>>
            %dma_start3A_311 = arith.constant 0 : i32
            %dma_start3A_312 = arith.constant 0 : i32
            %dma_start3A_313 = tpu.memref_slice %arg8[%rem3A_302, %dma_start3A_311, %dma_start3A_312] : memref<3x10x40xi32, #tpu.memory_space<vmem>> -> memref<1x10x40xi32, #tpu.memory_space<vmem>>
            %dma_start3A_314 = tpu.memref_squeeze %dma_start3A_313 : memref<1x10x40xi32, #tpu.memory_space<vmem>> -> memref<10x40xi32, #tpu.memory_space<vmem>>
            %dma_start3A_315 = arith.constant 0 : i32
            %dma_start3A_316 = arith.constant 0 : i32
            %dma_start3A_317 = tpu.memref_slice %arg4[%add3A, %add3A_295, %dma_start3A_315, %dma_start3A_316] : memref<32x25x10x40xi32, #tpu.memory_space<hbm>> -> memref<1x1x10x40xi32, #tpu.memory_space<hbm>>
            %dma_start3A_318 = tpu.memref_squeeze %dma_start3A_317 : memref<1x1x10x40xi32, #tpu.memory_space<hbm>> -> memref<10x40xi32, #tpu.memory_space<hbm>>
            tpu.enqueue_dma source(%dma_start3A_318 : memref<10x40xi32, #tpu.memory_space<hbm>>) target(%dma_start3A_314 : memref<10x40xi32, #tpu.memory_space<vmem>>) target_semaphore(%arg23 : memref<!tpu.dma_semaphore, #tpu.memory_space<semaphore_mem>>)
            %dma_start3A_319 = arith.constant 0 : i32
            %dma_start3A_320 = arith.constant 0 : i32
            %dma_start3A_321 = tpu.memref_slice %arg9[%rem3A_302, %dma_start3A_319, %dma_start3A_320] : memref<3x10x40xi32, #tpu.memory_space<vmem>> -> memref<1x10x40xi32, #tpu.memory_space<vmem>>
            %dma_start3A_322 = tpu.memref_squeeze %dma_start3A_321 : memref<1x10x40xi32, #tpu.memory_space<vmem>> -> memref<10x40xi32, #tpu.memory_space<vmem>>
            %dma_start3A_323 = arith.constant 0 : i32
            %dma_start3A_324 = arith.constant 0 : i32
            %dma_start3A_325 = tpu.memref_slice %arg5[%add3A, %add3A_295, %dma_start3A_323, %dma_start3A_324] : memref<32x25x10x40xi32, #tpu.memory_space<hbm>> -> memref<1x1x10x40xi32, #tpu.memory_space<hbm>>
            %dma_start3A_326 = tpu.memref_squeeze %dma_start3A_325 : memref<1x1x10x40xi32, #tpu.memory_space<hbm>> -> memref<10x40xi32, #tpu.memory_space<hbm>>
            %dma_start3A_327 = arith.constant 0 : i32
            %dma_start3A_328 = arith.constant 0 : i32
            %dma_start3A_329 = tpu.memref_slice %arg9[%rem3A_302, %dma_start3A_327, %dma_start3A_328] : memref<3x10x40xi32, #tpu.memory_space<vmem>> -> memref<1x10x40xi32, #tpu.memory_space<vmem>>
            %dma_start3A_330 = tpu.memref_squeeze %dma_start3A_329 : memref<1x10x40xi32, #tpu.memory_space<vmem>> -> memref<10x40xi32, #tpu.memory_space<vmem>>
            %dma_start3A_331 = arith.constant 0 : i32
            %dma_start3A_332 = arith.constant 0 : i32
            %dma_start3A_333 = tpu.memref_slice %arg5[%add3A, %add3A_295, %dma_start3A_331, %dma_start3A_332] : memref<32x25x10x40xi32, #tpu.memory_space<hbm>> -> memref<1x1x10x40xi32, #tpu.memory_space<hbm>>
            %dma_start3A_334 = tpu.memref_squeeze %dma_start3A_333 : memref<1x1x10x40xi32, #tpu.memory_space<hbm>> -> memref<10x40xi32, #tpu.memory_space<hbm>>
            tpu.enqueue_dma source(%dma_start3A_334 : memref<10x40xi32, #tpu.memory_space<hbm>>) target(%dma_start3A_330 : memref<10x40xi32, #tpu.memory_space<vmem>>) target_semaphore(%arg23 : memref<!tpu.dma_semaphore, #tpu.memory_space<semaphore_mem>>)
          } else {
          }
        } else {
        }
        %div3A_236 = arith.constant 10 : i32
        %div3A_237 = arith.divsi %add3A_111, %div3A_236 : i32
        %rem3A_238 = arith.constant 3 : i32
        %rem3A_239 = arith.remsi %div3A_237, %rem3A_238 : i32
        %rem3A_240 = arith.constant 10 : i32
        %rem3A_241 = arith.remsi %add3A_111, %rem3A_240 : i32
        %dma_start3A_242 = arith.constant 0 : i32
        %dma_start3A_243 = tpu.memref_slice %arg8[%rem3A_239, %rem3A_241, %dma_start3A_242] : memref<3x10x40xi32, #tpu.memory_space<vmem>> -> memref<1x1x40xi32, #tpu.memory_space<vmem>>
        %dma_start3A_244 = tpu.memref_squeeze %dma_start3A_243 : memref<1x1x40xi32, #tpu.memory_space<vmem>> -> memref<40xi32, #tpu.memory_space<vmem>>
        %dma_start3A_245 = arith.constant 0 : i32
        %dma_start3A_246 = arith.constant 0 : i32
        %dma_start3A_247 = tpu.memref_slice %arg2[%dma_start3A_245, %dma_start3A_246] : memref<10000x128xf32, #tpu.memory_space<hbm>> -> memref<10000x128xf32, #tpu.memory_space<hbm>>
        tpu.enqueue_indirect_dma source(%dma_start3A_247 : memref<10000x128xf32, #tpu.memory_space<hbm>>) target(%arg13 : memref<40x128xf32, #tpu.memory_space<vmem>>) offsets(%dma_start3A_244 : memref<40xi32, #tpu.memory_space<vmem>>) semaphore(%arg20 : memref<!tpu.dma_semaphore, #tpu.memory_space<semaphore_mem>>)
        %dma_start3A_248 = arith.constant 0 : i32
        %dma_start3A_249 = tpu.memref_slice %arg9[%rem3A_239, %rem3A_241, %dma_start3A_248] : memref<3x10x40xi32, #tpu.memory_space<vmem>> -> memref<1x1x40xi32, #tpu.memory_space<vmem>>
        %dma_start3A_250 = tpu.memref_squeeze %dma_start3A_249 : memref<1x1x40xi32, #tpu.memory_space<vmem>> -> memref<40xi32, #tpu.memory_space<vmem>>
        %dma_start3A_251 = arith.constant 0 : i32
        %dma_start3A_252 = arith.constant 0 : i32
        %dma_start3A_253 = tpu.memref_slice %arg2[%dma_start3A_251, %dma_start3A_252] : memref<10000x128xf32, #tpu.memory_space<hbm>> -> memref<10000x128xf32, #tpu.memory_space<hbm>>
        tpu.enqueue_indirect_dma source(%dma_start3A_253 : memref<10000x128xf32, #tpu.memory_space<hbm>>) target(%arg15 : memref<40x128xf32, #tpu.memory_space<vmem>>) offsets(%dma_start3A_250 : memref<40xi32, #tpu.memory_space<vmem>>) semaphore(%arg20 : memref<!tpu.dma_semaphore, #tpu.memory_space<semaphore_mem>>)
      } else {
      }
      %dma_wait3A_116 = arith.constant 0 : i32
      %dma_wait3A_117 = arith.constant 0 : i32
      %dma_wait3A_118 = tpu.memref_slice %arg3[%dma_wait3A_116, %dma_wait3A_117] : memref<320000x128xf32, #tpu.memory_space<hbm>> -> memref<40x128xf32, #tpu.memory_space<hbm>>
      %dma_wait3A_119 = arith.constant 0 : i32
      %dma_wait3A_120 = arith.constant 0 : i32
      %dma_wait3A_121 = tpu.memref_slice %arg3[%dma_wait3A_119, %dma_wait3A_120] : memref<320000x128xf32, #tpu.memory_space<hbm>> -> memref<40x128xf32, #tpu.memory_space<hbm>>
      tpu.wait_dma2 semaphore(%arg17 : memref<!tpu.dma_semaphore, #tpu.memory_space<semaphore_mem>>) src(%dma_wait3A_121 : memref<40x128xf32, #tpu.memory_space<hbm>>) dst(%arg10 : memref<40x128xf32, #tpu.memory_space<vmem>>)
      %dma_wait3A_122 = arith.constant 0 : i32
      %dma_wait3A_123 = arith.constant 0 : i32
      %dma_wait3A_124 = tpu.memref_slice %arg3[%dma_wait3A_122, %dma_wait3A_123] : memref<320000x128xf32, #tpu.memory_space<hbm>> -> memref<40x128xf32, #tpu.memory_space<hbm>>
      %dma_wait3A_125 = arith.constant 0 : i32
      %dma_wait3A_126 = arith.constant 0 : i32
      %dma_wait3A_127 = tpu.memref_slice %arg3[%dma_wait3A_125, %dma_wait3A_126] : memref<320000x128xf32, #tpu.memory_space<hbm>> -> memref<40x128xf32, #tpu.memory_space<hbm>>
      tpu.wait_dma2 semaphore(%arg19 : memref<!tpu.dma_semaphore, #tpu.memory_space<semaphore_mem>>) src(%dma_wait3A_127 : memref<40x128xf32, #tpu.memory_space<hbm>>) dst(%arg12 : memref<40x128xf32, #tpu.memory_space<vmem>>)
      %dma_wait3A_128 = arith.constant 0 : i32
      %dma_wait3A_129 = arith.constant 0 : i32
      %dma_wait3A_130 = tpu.memref_slice %arg3[%dma_wait3A_128, %dma_wait3A_129] : memref<320000x128xf32, #tpu.memory_space<hbm>> -> memref<40x128xf32, #tpu.memory_space<hbm>>
      %dma_wait3A_131 = arith.constant 0 : i32
      %dma_wait3A_132 = arith.constant 0 : i32
      %dma_wait3A_133 = tpu.memref_slice %arg3[%dma_wait3A_131, %dma_wait3A_132] : memref<320000x128xf32, #tpu.memory_space<hbm>> -> memref<40x128xf32, #tpu.memory_space<hbm>>
      tpu.wait_dma2 semaphore(%arg19 : memref<!tpu.dma_semaphore, #tpu.memory_space<semaphore_mem>>) src(%dma_wait3A_133 : memref<40x128xf32, #tpu.memory_space<hbm>>) dst(%arg14 : memref<40x128xf32, #tpu.memory_space<vmem>>)
      %div3A_134 = arith.constant 10 : i32
      %div3A_135 = arith.divsi %add3A_105, %div3A_134 : i32
      %rem3A_136 = arith.constant 3 : i32
      %rem3A_137 = arith.remsi %div3A_135, %rem3A_136 : i32
      %rem3A_138 = arith.constant 10 : i32
      %rem3A_139 = arith.remsi %add3A_105, %rem3A_138 : i32
      %parallel_loop3A = arith.constant 0 : i32
      %parallel_loop3A_140 = arith.constant 40 : i32
      %parallel_loop3A_141 = arith.constant 1 : i32
      scf.for %parallel_loop3A_229 = %parallel_loop3A to %parallel_loop3A_140 step %parallel_loop3A_141  : i32 {
        %parallel_loop3A_230 = arith.index_cast %parallel_loop3A_229 : i32 to index
        %parallel_loop3A_231 = arith.constant 0 : index
        %parallel_loop3A_232 = tpu.vector_load %arg12[%parallel_loop3A_230, %parallel_loop3A_231] {strides = array<i32>} : memref<40x128xf32, #tpu.memory_space<vmem>>, vector<1x16xf32>,
        %parallel_loop3A_233 = vector.shape_cast %parallel_loop3A_232 : vector<1x16xf32> to vector<16xf32>
        %parallel_loop3A_234 = arith.index_cast %parallel_loop3A_229 : i32 to index
        %parallel_loop3A_235 = arith.constant 0 : index
        %parallel_loop3A_236 = tpu.vector_load %arg10[%parallel_loop3A_234, %parallel_loop3A_235] {strides = array<i32>} : memref<40x128xf32, #tpu.memory_space<vmem>>, vector<1x16xf32>,
        %parallel_loop3A_237 = vector.shape_cast %parallel_loop3A_236 : vector<1x16xf32> to vector<16xf32>
        %parallel_loop3A_238 = arith.mulf %parallel_loop3A_233, %parallel_loop3A_237 : vector<16xf32>
        %parallel_loop3A_239 = arith.index_cast %parallel_loop3A_229 : i32 to index
        %parallel_loop3A_240 = arith.constant 0 : index
        %parallel_loop3A_241 = tpu.vector_load %arg12[%parallel_loop3A_239, %parallel_loop3A_240] {strides = array<i32>} : memref<40x128xf32, #tpu.memory_space<vmem>>, vector<1x16xf32>,
        %parallel_loop3A_242 = vector.shape_cast %parallel_loop3A_241 : vector<1x16xf32> to vector<16xf32>
        %parallel_loop3A_243 = vector.shape_cast %parallel_loop3A_238 : vector<16xf32> to vector<1x16xf32>
        tpu.vector_store %arg12[%parallel_loop3A_239, %parallel_loop3A_240], %parallel_loop3A_243 {strides = array<i32>} : memref<40x128xf32, #tpu.memory_space<vmem>>, vector<1x16xf32>,
        %parallel_loop3A_244 = arith.index_cast %parallel_loop3A_229 : i32 to index
        %parallel_loop3A_245 = arith.constant 16 : index
        %parallel_loop3A_246 = tpu.vector_load %arg12[%parallel_loop3A_244, %parallel_loop3A_245] {strides = array<i32>} : memref<40x128xf32, #tpu.memory_space<vmem>>, vector<1x16xf32>,
        %parallel_loop3A_247 = vector.shape_cast %parallel_loop3A_246 : vector<1x16xf32> to vector<16xf32>
        %parallel_loop3A_248 = arith.index_cast %parallel_loop3A_229 : i32 to index
        %parallel_loop3A_249 = arith.constant 16 : index
        %parallel_loop3A_250 = tpu.vector_load %arg10[%parallel_loop3A_248, %parallel_loop3A_249] {strides = array<i32>} : memref<40x128xf32, #tpu.memory_space<vmem>>, vector<1x16xf32>,
        %parallel_loop3A_251 = vector.shape_cast %parallel_loop3A_250 : vector<1x16xf32> to vector<16xf32>
        %parallel_loop3A_252 = arith.mulf %parallel_loop3A_247, %parallel_loop3A_251 : vector<16xf32>
        %parallel_loop3A_253 = arith.index_cast %parallel_loop3A_229 : i32 to index
        %parallel_loop3A_254 = arith.constant 16 : index
        %parallel_loop3A_255 = tpu.vector_load %arg12[%parallel_loop3A_253, %parallel_loop3A_254] {strides = array<i32>} : memref<40x128xf32, #tpu.memory_space<vmem>>, vector<1x16xf32>,
        %parallel_loop3A_256 = vector.shape_cast %parallel_loop3A_255 : vector<1x16xf32> to vector<16xf32>
        %parallel_loop3A_257 = vector.shape_cast %parallel_loop3A_252 : vector<16xf32> to vector<1x16xf32>
        tpu.vector_store %arg12[%parallel_loop3A_253, %parallel_loop3A_254], %parallel_loop3A_257 {strides = array<i32>} : memref<40x128xf32, #tpu.memory_space<vmem>>, vector<1x16xf32>,
        %parallel_loop3A_258 = arith.index_cast %parallel_loop3A_229 : i32 to index
        %parallel_loop3A_259 = arith.constant 32 : index
        %parallel_loop3A_260 = tpu.vector_load %arg12[%parallel_loop3A_258, %parallel_loop3A_259] {strides = array<i32>} : memref<40x128xf32, #tpu.memory_space<vmem>>, vector<1x16xf32>,
        %parallel_loop3A_261 = vector.shape_cast %parallel_loop3A_260 : vector<1x16xf32> to vector<16xf32>
        %parallel_loop3A_262 = arith.index_cast %parallel_loop3A_229 : i32 to index
        %parallel_loop3A_263 = arith.constant 32 : index
        %parallel_loop3A_264 = tpu.vector_load %arg10[%parallel_loop3A_262, %parallel_loop3A_263] {strides = array<i32>} : memref<40x128xf32, #tpu.memory_space<vmem>>, vector<1x16xf32>,
        %parallel_loop3A_265 = vector.shape_cast %parallel_loop3A_264 : vector<1x16xf32> to vector<16xf32>
        %parallel_loop3A_266 = arith.mulf %parallel_loop3A_261, %parallel_loop3A_265 : vector<16xf32>
        %parallel_loop3A_267 = arith.index_cast %parallel_loop3A_229 : i32 to index
        %parallel_loop3A_268 = arith.constant 32 : index
        %parallel_loop3A_269 = tpu.vector_load %arg12[%parallel_loop3A_267, %parallel_loop3A_268] {strides = array<i32>} : memref<40x128xf32, #tpu.memory_space<vmem>>, vector<1x16xf32>,
        %parallel_loop3A_270 = vector.shape_cast %parallel_loop3A_269 : vector<1x16xf32> to vector<16xf32>
        %parallel_loop3A_271 = vector.shape_cast %parallel_loop3A_266 : vector<16xf32> to vector<1x16xf32>
        tpu.vector_store %arg12[%parallel_loop3A_267, %parallel_loop3A_268], %parallel_loop3A_271 {strides = array<i32>} : memref<40x128xf32, #tpu.memory_space<vmem>>, vector<1x16xf32>,
        %parallel_loop3A_272 = arith.index_cast %parallel_loop3A_229 : i32 to index
        %parallel_loop3A_273 = arith.constant 48 : index
        %parallel_loop3A_274 = tpu.vector_load %arg12[%parallel_loop3A_272, %parallel_loop3A_273] {strides = array<i32>} : memref<40x128xf32, #tpu.memory_space<vmem>>, vector<1x16xf32>,
        %parallel_loop3A_275 = vector.shape_cast %parallel_loop3A_274 : vector<1x16xf32> to vector<16xf32>
        %parallel_loop3A_276 = arith.index_cast %parallel_loop3A_229 : i32 to index
        %parallel_loop3A_277 = arith.constant 48 : index
        %parallel_loop3A_278 = tpu.vector_load %arg10[%parallel_loop3A_276, %parallel_loop3A_277] {strides = array<i32>} : memref<40x128xf32, #tpu.memory_space<vmem>>, vector<1x16xf32>,
        %parallel_loop3A_279 = vector.shape_cast %parallel_loop3A_278 : vector<1x16xf32> to vector<16xf32>
        %parallel_loop3A_280 = arith.mulf %parallel_loop3A_275, %parallel_loop3A_279 : vector<16xf32>
        %parallel_loop3A_281 = arith.index_cast %parallel_loop3A_229 : i32 to index
        %parallel_loop3A_282 = arith.constant 48 : index
        %parallel_loop3A_283 = tpu.vector_load %arg12[%parallel_loop3A_281, %parallel_loop3A_282] {strides = array<i32>} : memref<40x128xf32, #tpu.memory_space<vmem>>, vector<1x16xf32>,
        %parallel_loop3A_284 = vector.shape_cast %parallel_loop3A_283 : vector<1x16xf32> to vector<16xf32>
        %parallel_loop3A_285 = vector.shape_cast %parallel_loop3A_280 : vector<16xf32> to vector<1x16xf32>
        tpu.vector_store %arg12[%parallel_loop3A_281, %parallel_loop3A_282], %parallel_loop3A_285 {strides = array<i32>} : memref<40x128xf32, #tpu.memory_space<vmem>>, vector<1x16xf32>,
        %parallel_loop3A_286 = arith.index_cast %parallel_loop3A_229 : i32 to index
        %parallel_loop3A_287 = arith.constant 64 : index
        %parallel_loop3A_288 = tpu.vector_load %arg12[%parallel_loop3A_286, %parallel_loop3A_287] {strides = array<i32>} : memref<40x128xf32, #tpu.memory_space<vmem>>, vector<1x16xf32>,
        %parallel_loop3A_289 = vector.shape_cast %parallel_loop3A_288 : vector<1x16xf32> to vector<16xf32>
        %parallel_loop3A_290 = arith.index_cast %parallel_loop3A_229 : i32 to index
        %parallel_loop3A_291 = arith.constant 64 : index
        %parallel_loop3A_292 = tpu.vector_load %arg10[%parallel_loop3A_290, %parallel_loop3A_291] {strides = array<i32>} : memref<40x128xf32, #tpu.memory_space<vmem>>, vector<1x16xf32>,
        %parallel_loop3A_293 = vector.shape_cast %parallel_loop3A_292 : vector<1x16xf32> to vector<16xf32>
        %parallel_loop3A_294 = arith.mulf %parallel_loop3A_289, %parallel_loop3A_293 : vector<16xf32>
        %parallel_loop3A_295 = arith.index_cast %parallel_loop3A_229 : i32 to index
        %parallel_loop3A_296 = arith.constant 64 : index
        %parallel_loop3A_297 = tpu.vector_load %arg12[%parallel_loop3A_295, %parallel_loop3A_296] {strides = array<i32>} : memref<40x128xf32, #tpu.memory_space<vmem>>, vector<1x16xf32>,
        %parallel_loop3A_298 = vector.shape_cast %parallel_loop3A_297 : vector<1x16xf32> to vector<16xf32>
        %parallel_loop3A_299 = vector.shape_cast %parallel_loop3A_294 : vector<16xf32> to vector<1x16xf32>
        tpu.vector_store %arg12[%parallel_loop3A_295, %parallel_loop3A_296], %parallel_loop3A_299 {strides = array<i32>} : memref<40x128xf32, #tpu.memory_space<vmem>>, vector<1x16xf32>,
        %parallel_loop3A_300 = arith.index_cast %parallel_loop3A_229 : i32 to index
        %parallel_loop3A_301 = arith.constant 80 : index
        %parallel_loop3A_302 = tpu.vector_load %arg12[%parallel_loop3A_300, %parallel_loop3A_301] {strides = array<i32>} : memref<40x128xf32, #tpu.memory_space<vmem>>, vector<1x16xf32>,
        %parallel_loop3A_303 = vector.shape_cast %parallel_loop3A_302 : vector<1x16xf32> to vector<16xf32>
        %parallel_loop3A_304 = arith.index_cast %parallel_loop3A_229 : i32 to index
        %parallel_loop3A_305 = arith.constant 80 : index
        %parallel_loop3A_306 = tpu.vector_load %arg10[%parallel_loop3A_304, %parallel_loop3A_305] {strides = array<i32>} : memref<40x128xf32, #tpu.memory_space<vmem>>, vector<1x16xf32>,
        %parallel_loop3A_307 = vector.shape_cast %parallel_loop3A_306 : vector<1x16xf32> to vector<16xf32>
        %parallel_loop3A_308 = arith.mulf %parallel_loop3A_303, %parallel_loop3A_307 : vector<16xf32>
        %parallel_loop3A_309 = arith.index_cast %parallel_loop3A_229 : i32 to index
        %parallel_loop3A_310 = arith.constant 80 : index
        %parallel_loop3A_311 = tpu.vector_load %arg12[%parallel_loop3A_309, %parallel_loop3A_310] {strides = array<i32>} : memref<40x128xf32, #tpu.memory_space<vmem>>, vector<1x16xf32>,
        %parallel_loop3A_312 = vector.shape_cast %parallel_loop3A_311 : vector<1x16xf32> to vector<16xf32>
        %parallel_loop3A_313 = vector.shape_cast %parallel_loop3A_308 : vector<16xf32> to vector<1x16xf32>
        tpu.vector_store %arg12[%parallel_loop3A_309, %parallel_loop3A_310], %parallel_loop3A_313 {strides = array<i32>} : memref<40x128xf32, #tpu.memory_space<vmem>>, vector<1x16xf32>,
        %parallel_loop3A_314 = arith.index_cast %parallel_loop3A_229 : i32 to index
        %parallel_loop3A_315 = arith.constant 96 : index
        %parallel_loop3A_316 = tpu.vector_load %arg12[%parallel_loop3A_314, %parallel_loop3A_315] {strides = array<i32>} : memref<40x128xf32, #tpu.memory_space<vmem>>, vector<1x16xf32>,
        %parallel_loop3A_317 = vector.shape_cast %parallel_loop3A_316 : vector<1x16xf32> to vector<16xf32>
        %parallel_loop3A_318 = arith.index_cast %parallel_loop3A_229 : i32 to index
        %parallel_loop3A_319 = arith.constant 96 : index
        %parallel_loop3A_320 = tpu.vector_load %arg10[%parallel_loop3A_318, %parallel_loop3A_319] {strides = array<i32>} : memref<40x128xf32, #tpu.memory_space<vmem>>, vector<1x16xf32>,
        %parallel_loop3A_321 = vector.shape_cast %parallel_loop3A_320 : vector<1x16xf32> to vector<16xf32>
        %parallel_loop3A_322 = arith.mulf %parallel_loop3A_317, %parallel_loop3A_321 : vector<16xf32>
        %parallel_loop3A_323 = arith.index_cast %parallel_loop3A_229 : i32 to index
        %parallel_loop3A_324 = arith.constant 96 : index
        %parallel_loop3A_325 = tpu.vector_load %arg12[%parallel_loop3A_323, %parallel_loop3A_324] {strides = array<i32>} : memref<40x128xf32, #tpu.memory_space<vmem>>, vector<1x16xf32>,
        %parallel_loop3A_326 = vector.shape_cast %parallel_loop3A_325 : vector<1x16xf32> to vector<16xf32>
        %parallel_loop3A_327 = vector.shape_cast %parallel_loop3A_322 : vector<16xf32> to vector<1x16xf32>
        tpu.vector_store %arg12[%parallel_loop3A_323, %parallel_loop3A_324], %parallel_loop3A_327 {strides = array<i32>} : memref<40x128xf32, #tpu.memory_space<vmem>>, vector<1x16xf32>,
        %parallel_loop3A_328 = arith.index_cast %parallel_loop3A_229 : i32 to index
        %parallel_loop3A_329 = arith.constant 112 : index
        %parallel_loop3A_330 = tpu.vector_load %arg12[%parallel_loop3A_328, %parallel_loop3A_329] {strides = array<i32>} : memref<40x128xf32, #tpu.memory_space<vmem>>, vector<1x16xf32>,
        %parallel_loop3A_331 = vector.shape_cast %parallel_loop3A_330 : vector<1x16xf32> to vector<16xf32>
        %parallel_loop3A_332 = arith.index_cast %parallel_loop3A_229 : i32 to index
        %parallel_loop3A_333 = arith.constant 112 : index
        %parallel_loop3A_334 = tpu.vector_load %arg10[%parallel_loop3A_332, %parallel_loop3A_333] {strides = array<i32>} : memref<40x128xf32, #tpu.memory_space<vmem>>, vector<1x16xf32>,
        %parallel_loop3A_335 = vector.shape_cast %parallel_loop3A_334 : vector<1x16xf32> to vector<16xf32>
        %parallel_loop3A_336 = arith.mulf %parallel_loop3A_331, %parallel_loop3A_335 : vector<16xf32>
        %parallel_loop3A_337 = arith.index_cast %parallel_loop3A_229 : i32 to index
        %parallel_loop3A_338 = arith.constant 112 : index
        %parallel_loop3A_339 = tpu.vector_load %arg12[%parallel_loop3A_337, %parallel_loop3A_338] {strides = array<i32>} : memref<40x128xf32, #tpu.memory_space<vmem>>, vector<1x16xf32>,
        %parallel_loop3A_340 = vector.shape_cast %parallel_loop3A_339 : vector<1x16xf32> to vector<16xf32>
        %parallel_loop3A_341 = vector.shape_cast %parallel_loop3A_336 : vector<16xf32> to vector<1x16xf32>
        tpu.vector_store %arg12[%parallel_loop3A_337, %parallel_loop3A_338], %parallel_loop3A_341 {strides = array<i32>} : memref<40x128xf32, #tpu.memory_space<vmem>>, vector<1x16xf32>,
      } {sc.loop_unroll_factor = 4 : i64, sc.parallel_access}
      %dma_start3A_142 = arith.constant 0 : i32
      %dma_start3A_143 = tpu.memref_slice %arg9[%rem3A_137, %rem3A_139, %dma_start3A_142] : memref<3x10x40xi32, #tpu.memory_space<vmem>> -> memref<1x1x40xi32, #tpu.memory_space<vmem>>
      %dma_start3A_144 = tpu.memref_squeeze %dma_start3A_143 : memref<1x1x40xi32, #tpu.memory_space<vmem>> -> memref<40xi32, #tpu.memory_space<vmem>>
      %dma_start3A_145 = arith.constant 0 : i32
      %dma_start3A_146 = arith.constant 0 : i32
      %dma_start3A_147 = tpu.memref_slice %arg16[%dma_start3A_145, %dma_start3A_146] : memref<10000x128xf32, #tpu.memory_space<vmem_shared>> -> memref<10000x128xf32, #tpu.memory_space<vmem_shared>>
      tpu.enqueue_indirect_dma source(%arg12 : memref<40x128xf32, #tpu.memory_space<vmem>>) target(%dma_start3A_147 : memref<10000x128xf32, #tpu.memory_space<vmem_shared>>) offsets(%dma_start3A_144 : memref<40xi32, #tpu.memory_space<vmem>>) semaphore(%arg21 : memref<!tpu.dma_semaphore, #tpu.memory_space<semaphore_mem>>) {add = true}
      %parallel_loop3A_148 = arith.constant 0 : i32
      %parallel_loop3A_149 = arith.constant 40 : i32
      %parallel_loop3A_150 = arith.constant 1 : i32
      scf.for %parallel_loop3A_229 = %parallel_loop3A_148 to %parallel_loop3A_149 step %parallel_loop3A_150  : i32 {
        %parallel_loop3A_230 = arith.index_cast %parallel_loop3A_229 : i32 to index
        %parallel_loop3A_231 = arith.constant 0 : index
        %parallel_loop3A_232 = tpu.vector_load %arg14[%parallel_loop3A_230, %parallel_loop3A_231] {strides = array<i32>} : memref<40x128xf32, #tpu.memory_space<vmem>>, vector<1x16xf32>,
        %parallel_loop3A_233 = vector.shape_cast %parallel_loop3A_232 : vector<1x16xf32> to vector<16xf32>
        %parallel_loop3A_234 = arith.index_cast %parallel_loop3A_229 : i32 to index
        %parallel_loop3A_235 = arith.constant 0 : index
        %parallel_loop3A_236 = tpu.vector_load %arg10[%parallel_loop3A_234, %parallel_loop3A_235] {strides = array<i32>} : memref<40x128xf32, #tpu.memory_space<vmem>>, vector<1x16xf32>,
        %parallel_loop3A_237 = vector.shape_cast %parallel_loop3A_236 : vector<1x16xf32> to vector<16xf32>
        %parallel_loop3A_238 = arith.mulf %parallel_loop3A_233, %parallel_loop3A_237 : vector<16xf32>
        %parallel_loop3A_239 = arith.index_cast %parallel_loop3A_229 : i32 to index
        %parallel_loop3A_240 = arith.constant 0 : index
        %parallel_loop3A_241 = tpu.vector_load %arg14[%parallel_loop3A_239, %parallel_loop3A_240] {strides = array<i32>} : memref<40x128xf32, #tpu.memory_space<vmem>>, vector<1x16xf32>,
        %parallel_loop3A_242 = vector.shape_cast %parallel_loop3A_241 : vector<1x16xf32> to vector<16xf32>
        %parallel_loop3A_243 = vector.shape_cast %parallel_loop3A_238 : vector<16xf32> to vector<1x16xf32>
        tpu.vector_store %arg14[%parallel_loop3A_239, %parallel_loop3A_240], %parallel_loop3A_243 {strides = array<i32>} : memref<40x128xf32, #tpu.memory_space<vmem>>, vector<1x16xf32>,
        %parallel_loop3A_244 = arith.index_cast %parallel_loop3A_229 : i32 to index
        %parallel_loop3A_245 = arith.constant 16 : index
        %parallel_loop3A_246 = tpu.vector_load %arg14[%parallel_loop3A_244, %parallel_loop3A_245] {strides = array<i32>} : memref<40x128xf32, #tpu.memory_space<vmem>>, vector<1x16xf32>,
        %parallel_loop3A_247 = vector.shape_cast %parallel_loop3A_246 : vector<1x16xf32> to vector<16xf32>
        %parallel_loop3A_248 = arith.index_cast %parallel_loop3A_229 : i32 to index
        %parallel_loop3A_249 = arith.constant 16 : index
        %parallel_loop3A_250 = tpu.vector_load %arg10[%parallel_loop3A_248, %parallel_loop3A_249] {strides = array<i32>} : memref<40x128xf32, #tpu.memory_space<vmem>>, vector<1x16xf32>,
        %parallel_loop3A_251 = vector.shape_cast %parallel_loop3A_250 : vector<1x16xf32> to vector<16xf32>
        %parallel_loop3A_252 = arith.mulf %parallel_loop3A_247, %parallel_loop3A_251 : vector<16xf32>
        %parallel_loop3A_253 = arith.index_cast %parallel_loop3A_229 : i32 to index
        %parallel_loop3A_254 = arith.constant 16 : index
        %parallel_loop3A_255 = tpu.vector_load %arg14[%parallel_loop3A_253, %parallel_loop3A_254] {strides = array<i32>} : memref<40x128xf32, #tpu.memory_space<vmem>>, vector<1x16xf32>,
        %parallel_loop3A_256 = vector.shape_cast %parallel_loop3A_255 : vector<1x16xf32> to vector<16xf32>
        %parallel_loop3A_257 = vector.shape_cast %parallel_loop3A_252 : vector<16xf32> to vector<1x16xf32>
        tpu.vector_store %arg14[%parallel_loop3A_253, %parallel_loop3A_254], %parallel_loop3A_257 {strides = array<i32>} : memref<40x128xf32, #tpu.memory_space<vmem>>, vector<1x16xf32>,
        %parallel_loop3A_258 = arith.index_cast %parallel_loop3A_229 : i32 to index
        %parallel_loop3A_259 = arith.constant 32 : index
        %parallel_loop3A_260 = tpu.vector_load %arg14[%parallel_loop3A_258, %parallel_loop3A_259] {strides = array<i32>} : memref<40x128xf32, #tpu.memory_space<vmem>>, vector<1x16xf32>,
        %parallel_loop3A_261 = vector.shape_cast %parallel_loop3A_260 : vector<1x16xf32> to vector<16xf32>
        %parallel_loop3A_262 = arith.index_cast %parallel_loop3A_229 : i32 to index
        %parallel_loop3A_263 = arith.constant 32 : index
        %parallel_loop3A_264 = tpu.vector_load %arg10[%parallel_loop3A_262, %parallel_loop3A_263] {strides = array<i32>} : memref<40x128xf32, #tpu.memory_space<vmem>>, vector<1x16xf32>,
        %parallel_loop3A_265 = vector.shape_cast %parallel_loop3A_264 : vector<1x16xf32> to vector<16xf32>
        %parallel_loop3A_266 = arith.mulf %parallel_loop3A_261, %parallel_loop3A_265 : vector<16xf32>
        %parallel_loop3A_267 = arith.index_cast %parallel_loop3A_229 : i32 to index
        %parallel_loop3A_268 = arith.constant 32 : index
        %parallel_loop3A_269 = tpu.vector_load %arg14[%parallel_loop3A_267, %parallel_loop3A_268] {strides = array<i32>} : memref<40x128xf32, #tpu.memory_space<vmem>>, vector<1x16xf32>,
        %parallel_loop3A_270 = vector.shape_cast %parallel_loop3A_269 : vector<1x16xf32> to vector<16xf32>
        %parallel_loop3A_271 = vector.shape_cast %parallel_loop3A_266 : vector<16xf32> to vector<1x16xf32>
        tpu.vector_store %arg14[%parallel_loop3A_267, %parallel_loop3A_268], %parallel_loop3A_271 {strides = array<i32>} : memref<40x128xf32, #tpu.memory_space<vmem>>, vector<1x16xf32>,
        %parallel_loop3A_272 = arith.index_cast %parallel_loop3A_229 : i32 to index
        %parallel_loop3A_273 = arith.constant 48 : index
        %parallel_loop3A_274 = tpu.vector_load %arg14[%parallel_loop3A_272, %parallel_loop3A_273] {strides = array<i32>} : memref<40x128xf32, #tpu.memory_space<vmem>>, vector<1x16xf32>,
        %parallel_loop3A_275 = vector.shape_cast %parallel_loop3A_274 : vector<1x16xf32> to vector<16xf32>
        %parallel_loop3A_276 = arith.index_cast %parallel_loop3A_229 : i32 to index
        %parallel_loop3A_277 = arith.constant 48 : index
        %parallel_loop3A_278 = tpu.vector_load %arg10[%parallel_loop3A_276, %parallel_loop3A_277] {strides = array<i32>} : memref<40x128xf32, #tpu.memory_space<vmem>>, vector<1x16xf32>,
        %parallel_loop3A_279 = vector.shape_cast %parallel_loop3A_278 : vector<1x16xf32> to vector<16xf32>
        %parallel_loop3A_280 = arith.mulf %parallel_loop3A_275, %parallel_loop3A_279 : vector<16xf32>
        %parallel_loop3A_281 = arith.index_cast %parallel_loop3A_229 : i32 to index
        %parallel_loop3A_282 = arith.constant 48 : index
        %parallel_loop3A_283 = tpu.vector_load %arg14[%parallel_loop3A_281, %parallel_loop3A_282] {strides = array<i32>} : memref<40x128xf32, #tpu.memory_space<vmem>>, vector<1x16xf32>,
        %parallel_loop3A_284 = vector.shape_cast %parallel_loop3A_283 : vector<1x16xf32> to vector<16xf32>
        %parallel_loop3A_285 = vector.shape_cast %parallel_loop3A_280 : vector<16xf32> to vector<1x16xf32>
        tpu.vector_store %arg14[%parallel_loop3A_281, %parallel_loop3A_282], %parallel_loop3A_285 {strides = array<i32>} : memref<40x128xf32, #tpu.memory_space<vmem>>, vector<1x16xf32>,
        %parallel_loop3A_286 = arith.index_cast %parallel_loop3A_229 : i32 to index
        %parallel_loop3A_287 = arith.constant 64 : index
        %parallel_loop3A_288 = tpu.vector_load %arg14[%parallel_loop3A_286, %parallel_loop3A_287] {strides = array<i32>} : memref<40x128xf32, #tpu.memory_space<vmem>>, vector<1x16xf32>,
        %parallel_loop3A_289 = vector.shape_cast %parallel_loop3A_288 : vector<1x16xf32> to vector<16xf32>
        %parallel_loop3A_290 = arith.index_cast %parallel_loop3A_229 : i32 to index
        %parallel_loop3A_291 = arith.constant 64 : index
        %parallel_loop3A_292 = tpu.vector_load %arg10[%parallel_loop3A_290, %parallel_loop3A_291] {strides = array<i32>} : memref<40x128xf32, #tpu.memory_space<vmem>>, vector<1x16xf32>,
        %parallel_loop3A_293 = vector.shape_cast %parallel_loop3A_292 : vector<1x16xf32> to vector<16xf32>
        %parallel_loop3A_294 = arith.mulf %parallel_loop3A_289, %parallel_loop3A_293 : vector<16xf32>
        %parallel_loop3A_295 = arith.index_cast %parallel_loop3A_229 : i32 to index
        %parallel_loop3A_296 = arith.constant 64 : index
        %parallel_loop3A_297 = tpu.vector_load %arg14[%parallel_loop3A_295, %parallel_loop3A_296] {strides = array<i32>} : memref<40x128xf32, #tpu.memory_space<vmem>>, vector<1x16xf32>,
        %parallel_loop3A_298 = vector.shape_cast %parallel_loop3A_297 : vector<1x16xf32> to vector<16xf32>
        %parallel_loop3A_299 = vector.shape_cast %parallel_loop3A_294 : vector<16xf32> to vector<1x16xf32>
        tpu.vector_store %arg14[%parallel_loop3A_295, %parallel_loop3A_296], %parallel_loop3A_299 {strides = array<i32>} : memref<40x128xf32, #tpu.memory_space<vmem>>, vector<1x16xf32>,
        %parallel_loop3A_300 = arith.index_cast %parallel_loop3A_229 : i32 to index
        %parallel_loop3A_301 = arith.constant 80 : index
        %parallel_loop3A_302 = tpu.vector_load %arg14[%parallel_loop3A_300, %parallel_loop3A_301] {strides = array<i32>} : memref<40x128xf32, #tpu.memory_space<vmem>>, vector<1x16xf32>,
        %parallel_loop3A_303 = vector.shape_cast %parallel_loop3A_302 : vector<1x16xf32> to vector<16xf32>
        %parallel_loop3A_304 = arith.index_cast %parallel_loop3A_229 : i32 to index
        %parallel_loop3A_305 = arith.constant 80 : index
        %parallel_loop3A_306 = tpu.vector_load %arg10[%parallel_loop3A_304, %parallel_loop3A_305] {strides = array<i32>} : memref<40x128xf32, #tpu.memory_space<vmem>>, vector<1x16xf32>,
        %parallel_loop3A_307 = vector.shape_cast %parallel_loop3A_306 : vector<1x16xf32> to vector<16xf32>
        %parallel_loop3A_308 = arith.mulf %parallel_loop3A_303, %parallel_loop3A_307 : vector<16xf32>
        %parallel_loop3A_309 = arith.index_cast %parallel_loop3A_229 : i32 to index
        %parallel_loop3A_310 = arith.constant 80 : index
        %parallel_loop3A_311 = tpu.vector_load %arg14[%parallel_loop3A_309, %parallel_loop3A_310] {strides = array<i32>} : memref<40x128xf32, #tpu.memory_space<vmem>>, vector<1x16xf32>,
        %parallel_loop3A_312 = vector.shape_cast %parallel_loop3A_311 : vector<1x16xf32> to vector<16xf32>
        %parallel_loop3A_313 = vector.shape_cast %parallel_loop3A_308 : vector<16xf32> to vector<1x16xf32>
        tpu.vector_store %arg14[%parallel_loop3A_309, %parallel_loop3A_310], %parallel_loop3A_313 {strides = array<i32>} : memref<40x128xf32, #tpu.memory_space<vmem>>, vector<1x16xf32>,
        %parallel_loop3A_314 = arith.index_cast %parallel_loop3A_229 : i32 to index
        %parallel_loop3A_315 = arith.constant 96 : index
        %parallel_loop3A_316 = tpu.vector_load %arg14[%parallel_loop3A_314, %parallel_loop3A_315] {strides = array<i32>} : memref<40x128xf32, #tpu.memory_space<vmem>>, vector<1x16xf32>,
        %parallel_loop3A_317 = vector.shape_cast %parallel_loop3A_316 : vector<1x16xf32> to vector<16xf32>
        %parallel_loop3A_318 = arith.index_cast %parallel_loop3A_229 : i32 to index
        %parallel_loop3A_319 = arith.constant 96 : index
        %parallel_loop3A_320 = tpu.vector_load %arg10[%parallel_loop3A_318, %parallel_loop3A_319] {strides = array<i32>} : memref<40x128xf32, #tpu.memory_space<vmem>>, vector<1x16xf32>,
        %parallel_loop3A_321 = vector.shape_cast %parallel_loop3A_320 : vector<1x16xf32> to vector<16xf32>
        %parallel_loop3A_322 = arith.mulf %parallel_loop3A_317, %parallel_loop3A_321 : vector<16xf32>
        %parallel_loop3A_323 = arith.index_cast %parallel_loop3A_229 : i32 to index
        %parallel_loop3A_324 = arith.constant 96 : index
        %parallel_loop3A_325 = tpu.vector_load %arg14[%parallel_loop3A_323, %parallel_loop3A_324] {strides = array<i32>} : memref<40x128xf32, #tpu.memory_space<vmem>>, vector<1x16xf32>,
        %parallel_loop3A_326 = vector.shape_cast %parallel_loop3A_325 : vector<1x16xf32> to vector<16xf32>
        %parallel_loop3A_327 = vector.shape_cast %parallel_loop3A_322 : vector<16xf32> to vector<1x16xf32>
        tpu.vector_store %arg14[%parallel_loop3A_323, %parallel_loop3A_324], %parallel_loop3A_327 {strides = array<i32>} : memref<40x128xf32, #tpu.memory_space<vmem>>, vector<1x16xf32>,
        %parallel_loop3A_328 = arith.index_cast %parallel_loop3A_229 : i32 to index
        %parallel_loop3A_329 = arith.constant 112 : index
        %parallel_loop3A_330 = tpu.vector_load %arg14[%parallel_loop3A_328, %parallel_loop3A_329] {strides = array<i32>} : memref<40x128xf32, #tpu.memory_space<vmem>>, vector<1x16xf32>,
        %parallel_loop3A_331 = vector.shape_cast %parallel_loop3A_330 : vector<1x16xf32> to vector<16xf32>
        %parallel_loop3A_332 = arith.index_cast %parallel_loop3A_229 : i32 to index
        %parallel_loop3A_333 = arith.constant 112 : index
        %parallel_loop3A_334 = tpu.vector_load %arg10[%parallel_loop3A_332, %parallel_loop3A_333] {strides = array<i32>} : memref<40x128xf32, #tpu.memory_space<vmem>>, vector<1x16xf32>,
        %parallel_loop3A_335 = vector.shape_cast %parallel_loop3A_334 : vector<1x16xf32> to vector<16xf32>
        %parallel_loop3A_336 = arith.mulf %parallel_loop3A_331, %parallel_loop3A_335 : vector<16xf32>
        %parallel_loop3A_337 = arith.index_cast %parallel_loop3A_229 : i32 to index
        %parallel_loop3A_338 = arith.constant 112 : index
        %parallel_loop3A_339 = tpu.vector_load %arg14[%parallel_loop3A_337, %parallel_loop3A_338] {strides = array<i32>} : memref<40x128xf32, #tpu.memory_space<vmem>>, vector<1x16xf32>,
        %parallel_loop3A_340 = vector.shape_cast %parallel_loop3A_339 : vector<1x16xf32> to vector<16xf32>
        %parallel_loop3A_341 = vector.shape_cast %parallel_loop3A_336 : vector<16xf32> to vector<1x16xf32>
        tpu.vector_store %arg14[%parallel_loop3A_337, %parallel_loop3A_338], %parallel_loop3A_341 {strides = array<i32>} : memref<40x128xf32, #tpu.memory_space<vmem>>, vector<1x16xf32>,
      } {sc.loop_unroll_factor = 4 : i64, sc.parallel_access}
      %dma_start3A_151 = arith.constant 0 : i32
      %dma_start3A_152 = tpu.memref_slice %arg8[%rem3A_137, %rem3A_139, %dma_start3A_151] : memref<3x10x40xi32, #tpu.memory_space<vmem>> -> memref<1x1x40xi32, #tpu.memory_space<vmem>>
      %dma_start3A_153 = tpu.memref_squeeze %dma_start3A_152 : memref<1x1x40xi32, #tpu.memory_space<vmem>> -> memref<40xi32, #tpu.memory_space<vmem>>
      %dma_start3A_154 = arith.constant 0 : i32
      %dma_start3A_155 = arith.constant 0 : i32
      %dma_start3A_156 = tpu.memref_slice %arg16[%dma_start3A_154, %dma_start3A_155] : memref<10000x128xf32, #tpu.memory_space<vmem_shared>> -> memref<10000x128xf32, #tpu.memory_space<vmem_shared>>
      tpu.enqueue_indirect_dma source(%arg14 : memref<40x128xf32, #tpu.memory_space<vmem>>) target(%dma_start3A_156 : memref<10000x128xf32, #tpu.memory_space<vmem_shared>>) offsets(%dma_start3A_153 : memref<40xi32, #tpu.memory_space<vmem>>) semaphore(%arg21 : memref<!tpu.dma_semaphore, #tpu.memory_space<semaphore_mem>>) {add = true}
      %add3A_157 = arith.constant 2 : i32
      %add3A_158 = arith.addi %add3A_105, %add3A_157 : i32
      %lt3A_159 = arith.constant 250 : i32
      %lt3A_160 = arith.cmpi slt, %add3A_158, %lt3A_159 : i32
      %convert_element_type3A_161 = arith.extui %lt3A_160 : i1 to i32
      %cond3A_162 = arith.constant 0 : i32
      %cond3A_163 = arith.cmpi ne, %convert_element_type3A_161, %cond3A_162 : i32
      scf.if %cond3A_163 {
        %add3A_229 = arith.constant 2 : i32
        %add3A_230 = arith.addi %add3A_105, %add3A_229 : i32
        %mul3A_231 = arith.constant 10000 : i32
        %mul3A_232 = arith.muli %add3A, %mul3A_231 : i32
        %mul3A_233 = arith.constant 40 : i32
        %mul3A_234 = arith.muli %add3A_230, %mul3A_233 : i32
        %add3A_235 = arith.addi %mul3A_232, %mul3A_234 : i32
        %multiple_of3A_236 = tpu.assume_multiple %add3A_235, 8 : i32
        %dma_start3A_237 = arith.constant 0 : i32
        %dma_start3A_238 = tpu.memref_slice %arg3[%multiple_of3A_236, %dma_start3A_237] : memref<320000x128xf32, #tpu.memory_space<hbm>> -> memref<40x128xf32, #tpu.memory_space<hbm>>
        %dma_start3A_239 = arith.constant 0 : i32
        %dma_start3A_240 = tpu.memref_slice %arg3[%multiple_of3A_236, %dma_start3A_239] : memref<320000x128xf32, #tpu.memory_space<hbm>> -> memref<40x128xf32, #tpu.memory_space<hbm>>
        tpu.enqueue_dma source(%dma_start3A_240 : memref<40x128xf32, #tpu.memory_space<hbm>>) target(%arg10 : memref<40x128xf32, #tpu.memory_space<vmem>>) target_semaphore(%arg17 : memref<!tpu.dma_semaphore, #tpu.memory_space<semaphore_mem>>)
      } else {
      }
      %mul3A_164 = arith.constant 2 : i32
      %mul3A_165 = arith.muli %scan3A_101, %mul3A_164 : i32
      %add3A_166 = arith.constant 1 : i32
      %add3A_167 = arith.addi %mul3A_165, %add3A_166 : i32
      %ge3A_168 = arith.constant 1 : i32
      %ge3A_169 = arith.cmpi sge, %add3A_167, %ge3A_168 : i32
      %convert_element_type3A_170 = arith.extui %ge3A_169 : i1 to i32
      %cond3A_171 = arith.constant 0 : i32
      %cond3A_172 = arith.cmpi ne, %convert_element_type3A_170, %cond3A_171 : i32
      scf.if %cond3A_172 {
        %dma_wait3A_229 = arith.constant 0 : i32
        %dma_wait3A_230 = arith.constant 0 : i32
        %dma_wait3A_231 = tpu.memref_slice %arg3[%dma_wait3A_229, %dma_wait3A_230] : memref<320000x128xf32, #tpu.memory_space<hbm>> -> memref<40x128xf32, #tpu.memory_space<hbm>>
        %dma_wait3A_232 = arith.constant 0 : i32
        %dma_wait3A_233 = arith.constant 0 : i32
        %dma_wait3A_234 = tpu.memref_slice %arg3[%dma_wait3A_232, %dma_wait3A_233] : memref<320000x128xf32, #tpu.memory_space<hbm>> -> memref<40x128xf32, #tpu.memory_space<hbm>>
        tpu.wait_dma2 semaphore(%arg21 : memref<!tpu.dma_semaphore, #tpu.memory_space<semaphore_mem>>) src(%dma_wait3A_234 : memref<40x128xf32, #tpu.memory_space<hbm>>) dst(%arg12 : memref<40x128xf32, #tpu.memory_space<vmem>>)
        %dma_wait3A_235 = arith.constant 0 : i32
        %dma_wait3A_236 = arith.constant 0 : i32
        %dma_wait3A_237 = tpu.memref_slice %arg3[%dma_wait3A_235, %dma_wait3A_236] : memref<320000x128xf32, #tpu.memory_space<hbm>> -> memref<40x128xf32, #tpu.memory_space<hbm>>
        %dma_wait3A_238 = arith.constant 0 : i32
        %dma_wait3A_239 = arith.constant 0 : i32
        %dma_wait3A_240 = tpu.memref_slice %arg3[%dma_wait3A_238, %dma_wait3A_239] : memref<320000x128xf32, #tpu.memory_space<hbm>> -> memref<40x128xf32, #tpu.memory_space<hbm>>
        tpu.wait_dma2 semaphore(%arg21 : memref<!tpu.dma_semaphore, #tpu.memory_space<semaphore_mem>>) src(%dma_wait3A_240 : memref<40x128xf32, #tpu.memory_space<hbm>>) dst(%arg14 : memref<40x128xf32, #tpu.memory_space<vmem>>)
      } else {
      }
      %add3A_173 = arith.constant 1 : i32
      %add3A_174 = arith.addi %add3A_167, %add3A_173 : i32
      %lt3A_175 = arith.constant 250 : i32
      %lt3A_176 = arith.cmpi slt, %add3A_174, %lt3A_175 : i32
      %convert_element_type3A_177 = arith.extui %lt3A_176 : i1 to i32
      %cond3A_178 = arith.constant 0 : i32
      %cond3A_179 = arith.cmpi ne, %convert_element_type3A_177, %cond3A_178 : i32
      scf.if %cond3A_179 {
        %rem3A_229 = arith.constant 10 : i32
        %rem3A_230 = arith.remsi %add3A_174, %rem3A_229 : i32
        %eq3A_231 = arith.constant 0 : i32
        %eq3A_232 = arith.cmpi eq, %rem3A_230, %eq3A_231 : i32
        %convert_element_type3A_233 = arith.extui %eq3A_232 : i1 to i32
        %cond3A_234 = arith.constant 0 : i32
        %cond3A_235 = arith.cmpi ne, %convert_element_type3A_233, %cond3A_234 : i32
        scf.if %cond3A_235 {
          %dma_wait3A_254 = arith.constant 0 : i32
          %dma_wait3A_255 = arith.constant 0 : i32
          %dma_wait3A_256 = arith.constant 0 : i32
          %dma_wait3A_257 = arith.constant 0 : i32
          %dma_wait3A_258 = arith.constant 0 : i32
          %dma_wait3A_259 = tpu.memref_slice %arg8[%dma_wait3A_256, %dma_wait3A_257, %dma_wait3A_258] : memref<3x10x40xi32, #tpu.memory_space<vmem>> -> memref<1x10x40xi32, #tpu.memory_space<vmem>>
          %dma_wait3A_260 = tpu.memref_squeeze %dma_wait3A_259 : memref<1x10x40xi32, #tpu.memory_space<vmem>> -> memref<10x40xi32, #tpu.memory_space<vmem>>
          %dma_wait3A_261 = arith.constant 0 : i32
          %dma_wait3A_262 = arith.constant 0 : i32
          %dma_wait3A_263 = tpu.memref_slice %arg4[%dma_wait3A_254, %dma_wait3A_255, %dma_wait3A_261, %dma_wait3A_262] : memref<32x25x10x40xi32, #tpu.memory_space<hbm>> -> memref<1x1x10x40xi32, #tpu.memory_space<hbm>>
          %dma_wait3A_264 = tpu.memref_squeeze %dma_wait3A_263 : memref<1x1x10x40xi32, #tpu.memory_space<hbm>> -> memref<10x40xi32, #tpu.memory_space<hbm>>
          %dma_wait3A_265 = arith.constant 0 : i32
          %dma_wait3A_266 = arith.constant 0 : i32
          %dma_wait3A_267 = tpu.memref_slice %arg8[%dma_wait3A_256, %dma_wait3A_265, %dma_wait3A_266] : memref<3x10x40xi32, #tpu.memory_space<vmem>> -> memref<1x10x40xi32, #tpu.memory_space<vmem>>
          %dma_wait3A_268 = tpu.memref_squeeze %dma_wait3A_267 : memref<1x10x40xi32, #tpu.memory_space<vmem>> -> memref<10x40xi32, #tpu.memory_space<vmem>>
          %dma_wait3A_269 = arith.constant 0 : i32
          %dma_wait3A_270 = arith.constant 0 : i32
          %dma_wait3A_271 = tpu.memref_slice %arg4[%dma_wait3A_254, %dma_wait3A_255, %dma_wait3A_269, %dma_wait3A_270] : memref<32x25x10x40xi32, #tpu.memory_space<hbm>> -> memref<1x1x10x40xi32, #tpu.memory_space<hbm>>
          %dma_wait3A_272 = tpu.memref_squeeze %dma_wait3A_271 : memref<1x1x10x40xi32, #tpu.memory_space<hbm>> -> memref<10x40xi32, #tpu.memory_space<hbm>>
          tpu.wait_dma2 semaphore(%arg23 : memref<!tpu.dma_semaphore, #tpu.memory_space<semaphore_mem>>) src(%dma_wait3A_272 : memref<10x40xi32, #tpu.memory_space<hbm>>) dst(%dma_wait3A_268 : memref<10x40xi32, #tpu.memory_space<vmem>>)
          %dma_wait3A_273 = arith.constant 0 : i32
          %dma_wait3A_274 = arith.constant 0 : i32
          %dma_wait3A_275 = arith.constant 0 : i32
          %dma_wait3A_276 = arith.constant 0 : i32
          %dma_wait3A_277 = arith.constant 0 : i32
          %dma_wait3A_278 = tpu.memref_slice %arg9[%dma_wait3A_275, %dma_wait3A_276, %dma_wait3A_277] : memref<3x10x40xi32, #tpu.memory_space<vmem>> -> memref<1x10x40xi32, #tpu.memory_space<vmem>>
          %dma_wait3A_279 = tpu.memref_squeeze %dma_wait3A_278 : memref<1x10x40xi32, #tpu.memory_space<vmem>> -> memref<10x40xi32, #tpu.memory_space<vmem>>
          %dma_wait3A_280 = arith.constant 0 : i32
          %dma_wait3A_281 = arith.constant 0 : i32
          %dma_wait3A_282 = tpu.memref_slice %arg5[%dma_wait3A_273, %dma_wait3A_274, %dma_wait3A_280, %dma_wait3A_281] : memref<32x25x10x40xi32, #tpu.memory_space<hbm>> -> memref<1x1x10x40xi32, #tpu.memory_space<hbm>>
          %dma_wait3A_283 = tpu.memref_squeeze %dma_wait3A_282 : memref<1x1x10x40xi32, #tpu.memory_space<hbm>> -> memref<10x40xi32, #tpu.memory_space<hbm>>
          %dma_wait3A_284 = arith.constant 0 : i32
          %dma_wait3A_285 = arith.constant 0 : i32
          %dma_wait3A_286 = tpu.memref_slice %arg9[%dma_wait3A_275, %dma_wait3A_284, %dma_wait3A_285] : memref<3x10x40xi32, #tpu.memory_space<vmem>> -> memref<1x10x40xi32, #tpu.memory_space<vmem>>
          %dma_wait3A_287 = tpu.memref_squeeze %dma_wait3A_286 : memref<1x10x40xi32, #tpu.memory_space<vmem>> -> memref<10x40xi32, #tpu.memory_space<vmem>>
          %dma_wait3A_288 = arith.constant 0 : i32
          %dma_wait3A_289 = arith.constant 0 : i32
          %dma_wait3A_290 = tpu.memref_slice %arg5[%dma_wait3A_273, %dma_wait3A_274, %dma_wait3A_288, %dma_wait3A_289] : memref<32x25x10x40xi32, #tpu.memory_space<hbm>> -> memref<1x1x10x40xi32, #tpu.memory_space<hbm>>
          %dma_wait3A_291 = tpu.memref_squeeze %dma_wait3A_290 : memref<1x1x10x40xi32, #tpu.memory_space<hbm>> -> memref<10x40xi32, #tpu.memory_space<hbm>>
          tpu.wait_dma2 semaphore(%arg23 : memref<!tpu.dma_semaphore, #tpu.memory_space<semaphore_mem>>) src(%dma_wait3A_291 : memref<10x40xi32, #tpu.memory_space<hbm>>) dst(%dma_wait3A_287 : memref<10x40xi32, #tpu.memory_space<vmem>>)
          %div3A_292 = arith.constant 10 : i32
          %div3A_293 = arith.divsi %add3A_174, %div3A_292 : i32
          %add3A_294 = arith.constant 1 : i32
          %add3A_295 = arith.addi %div3A_293, %add3A_294 : i32
          %lt3A_296 = arith.constant 25 : i32
          %lt3A_297 = arith.cmpi slt, %add3A_295, %lt3A_296 : i32
          %convert_element_type3A_298 = arith.extui %lt3A_297 : i1 to i32
          %cond3A_299 = arith.constant 0 : i32
          %cond3A_300 = arith.cmpi ne, %convert_element_type3A_298, %cond3A_299 : i32
          scf.if %cond3A_300 {
            %rem3A_301 = arith.constant 3 : i32
            %rem3A_302 = arith.remsi %add3A_295, %rem3A_301 : i32
            %dma_start3A_303 = arith.constant 0 : i32
            %dma_start3A_304 = arith.constant 0 : i32
            %dma_start3A_305 = tpu.memref_slice %arg8[%rem3A_302, %dma_start3A_303, %dma_start3A_304] : memref<3x10x40xi32, #tpu.memory_space<vmem>> -> memref<1x10x40xi32, #tpu.memory_space<vmem>>
            %dma_start3A_306 = tpu.memref_squeeze %dma_start3A_305 : memref<1x10x40xi32, #tpu.memory_space<vmem>> -> memref<10x40xi32, #tpu.memory_space<vmem>>
            %dma_start3A_307 = arith.constant 0 : i32
            %dma_start3A_308 = arith.constant 0 : i32
            %dma_start3A_309 = tpu.memref_slice %arg4[%add3A, %add3A_295, %dma_start3A_307, %dma_start3A_308] : memref<32x25x10x40xi32, #tpu.memory_space<hbm>> -> memref<1x1x10x40xi32, #tpu.memory_space<hbm>>
            %dma_start3A_310 = tpu.memref_squeeze %dma_start3A_309 : memref<1x1x10x40xi32, #tpu.memory_space<hbm>> -> memref<10x40xi32, #tpu.memory_space<hbm>>
            %dma_start3A_311 = arith.constant 0 : i32
            %dma_start3A_312 = arith.constant 0 : i32
            %dma_start3A_313 = tpu.memref_slice %arg8[%rem3A_302, %dma_start3A_311, %dma_start3A_312] : memref<3x10x40xi32, #tpu.memory_space<vmem>> -> memref<1x10x40xi32, #tpu.memory_space<vmem>>
            %dma_start3A_314 = tpu.memref_squeeze %dma_start3A_313 : memref<1x10x40xi32, #tpu.memory_space<vmem>> -> memref<10x40xi32, #tpu.memory_space<vmem>>
            %dma_start3A_315 = arith.constant 0 : i32
            %dma_start3A_316 = arith.constant 0 : i32
            %dma_start3A_317 = tpu.memref_slice %arg4[%add3A, %add3A_295, %dma_start3A_315, %dma_start3A_316] : memref<32x25x10x40xi32, #tpu.memory_space<hbm>> -> memref<1x1x10x40xi32, #tpu.memory_space<hbm>>
            %dma_start3A_318 = tpu.memref_squeeze %dma_start3A_317 : memref<1x1x10x40xi32, #tpu.memory_space<hbm>> -> memref<10x40xi32, #tpu.memory_space<hbm>>
            tpu.enqueue_dma source(%dma_start3A_318 : memref<10x40xi32, #tpu.memory_space<hbm>>) target(%dma_start3A_314 : memref<10x40xi32, #tpu.memory_space<vmem>>) target_semaphore(%arg23 : memref<!tpu.dma_semaphore, #tpu.memory_space<semaphore_mem>>)
            %dma_start3A_319 = arith.constant 0 : i32
            %dma_start3A_320 = arith.constant 0 : i32
            %dma_start3A_321 = tpu.memref_slice %arg9[%rem3A_302, %dma_start3A_319, %dma_start3A_320] : memref<3x10x40xi32, #tpu.memory_space<vmem>> -> memref<1x10x40xi32, #tpu.memory_space<vmem>>
            %dma_start3A_322 = tpu.memref_squeeze %dma_start3A_321 : memref<1x10x40xi32, #tpu.memory_space<vmem>> -> memref<10x40xi32, #tpu.memory_space<vmem>>
            %dma_start3A_323 = arith.constant 0 : i32
            %dma_start3A_324 = arith.constant 0 : i32
            %dma_start3A_325 = tpu.memref_slice %arg5[%add3A, %add3A_295, %dma_start3A_323, %dma_start3A_324] : memref<32x25x10x40xi32, #tpu.memory_space<hbm>> -> memref<1x1x10x40xi32, #tpu.memory_space<hbm>>
            %dma_start3A_326 = tpu.memref_squeeze %dma_start3A_325 : memref<1x1x10x40xi32, #tpu.memory_space<hbm>> -> memref<10x40xi32, #tpu.memory_space<hbm>>
            %dma_start3A_327 = arith.constant 0 : i32
            %dma_start3A_328 = arith.constant 0 : i32
            %dma_start3A_329 = tpu.memref_slice %arg9[%rem3A_302, %dma_start3A_327, %dma_start3A_328] : memref<3x10x40xi32, #tpu.memory_space<vmem>> -> memref<1x10x40xi32, #tpu.memory_space<vmem>>
            %dma_start3A_330 = tpu.memref_squeeze %dma_start3A_329 : memref<1x10x40xi32, #tpu.memory_space<vmem>> -> memref<10x40xi32, #tpu.memory_space<vmem>>
            %dma_start3A_331 = arith.constant 0 : i32
            %dma_start3A_332 = arith.constant 0 : i32
            %dma_start3A_333 = tpu.memref_slice %arg5[%add3A, %add3A_295, %dma_start3A_331, %dma_start3A_332] : memref<32x25x10x40xi32, #tpu.memory_space<hbm>> -> memref<1x1x10x40xi32, #tpu.memory_space<hbm>>
            %dma_start3A_334 = tpu.memref_squeeze %dma_start3A_333 : memref<1x1x10x40xi32, #tpu.memory_space<hbm>> -> memref<10x40xi32, #tpu.memory_space<hbm>>
            tpu.enqueue_dma source(%dma_start3A_334 : memref<10x40xi32, #tpu.memory_space<hbm>>) target(%dma_start3A_330 : memref<10x40xi32, #tpu.memory_space<vmem>>) target_semaphore(%arg23 : memref<!tpu.dma_semaphore, #tpu.memory_space<semaphore_mem>>)
          } else {
          }
        } else {
        }
        %div3A_236 = arith.constant 10 : i32
        %div3A_237 = arith.divsi %add3A_174, %div3A_236 : i32
        %rem3A_238 = arith.constant 3 : i32
        %rem3A_239 = arith.remsi %div3A_237, %rem3A_238 : i32
        %rem3A_240 = arith.constant 10 : i32
        %rem3A_241 = arith.remsi %add3A_174, %rem3A_240 : i32
        %dma_start3A_242 = arith.constant 0 : i32
        %dma_start3A_243 = tpu.memref_slice %arg8[%rem3A_239, %rem3A_241, %dma_start3A_242] : memref<3x10x40xi32, #tpu.memory_space<vmem>> -> memref<1x1x40xi32, #tpu.memory_space<vmem>>
        %dma_start3A_244 = tpu.memref_squeeze %dma_start3A_243 : memref<1x1x40xi32, #tpu.memory_space<vmem>> -> memref<40xi32, #tpu.memory_space<vmem>>
        %dma_start3A_245 = arith.constant 0 : i32
        %dma_start3A_246 = arith.constant 0 : i32
        %dma_start3A_247 = tpu.memref_slice %arg2[%dma_start3A_245, %dma_start3A_246] : memref<10000x128xf32, #tpu.memory_space<hbm>> -> memref<10000x128xf32, #tpu.memory_space<hbm>>
        tpu.enqueue_indirect_dma source(%dma_start3A_247 : memref<10000x128xf32, #tpu.memory_space<hbm>>) target(%arg12 : memref<40x128xf32, #tpu.memory_space<vmem>>) offsets(%dma_start3A_244 : memref<40xi32, #tpu.memory_space<vmem>>) semaphore(%arg19 : memref<!tpu.dma_semaphore, #tpu.memory_space<semaphore_mem>>)
        %dma_start3A_248 = arith.constant 0 : i32
        %dma_start3A_249 = tpu.memref_slice %arg9[%rem3A_239, %rem3A_241, %dma_start3A_248] : memref<3x10x40xi32, #tpu.memory_space<vmem>> -> memref<1x1x40xi32, #tpu.memory_space<vmem>>
        %dma_start3A_250 = tpu.memref_squeeze %dma_start3A_249 : memref<1x1x40xi32, #tpu.memory_space<vmem>> -> memref<40xi32, #tpu.memory_space<vmem>>
        %dma_start3A_251 = arith.constant 0 : i32
        %dma_start3A_252 = arith.constant 0 : i32
        %dma_start3A_253 = tpu.memref_slice %arg2[%dma_start3A_251, %dma_start3A_252] : memref<10000x128xf32, #tpu.memory_space<hbm>> -> memref<10000x128xf32, #tpu.memory_space<hbm>>
        tpu.enqueue_indirect_dma source(%dma_start3A_253 : memref<10000x128xf32, #tpu.memory_space<hbm>>) target(%arg14 : memref<40x128xf32, #tpu.memory_space<vmem>>) offsets(%dma_start3A_250 : memref<40xi32, #tpu.memory_space<vmem>>) semaphore(%arg19 : memref<!tpu.dma_semaphore, #tpu.memory_space<semaphore_mem>>)
      } else {
      }
      %dma_wait3A_180 = arith.constant 0 : i32
      %dma_wait3A_181 = arith.constant 0 : i32
      %dma_wait3A_182 = tpu.memref_slice %arg3[%dma_wait3A_180, %dma_wait3A_181] : memref<320000x128xf32, #tpu.memory_space<hbm>> -> memref<40x128xf32, #tpu.memory_space<hbm>>
      %dma_wait3A_183 = arith.constant 0 : i32
      %dma_wait3A_184 = arith.constant 0 : i32
      %dma_wait3A_185 = tpu.memref_slice %arg3[%dma_wait3A_183, %dma_wait3A_184] : memref<320000x128xf32, #tpu.memory_space<hbm>> -> memref<40x128xf32, #tpu.memory_space<hbm>>
      tpu.wait_dma2 semaphore(%arg18 : memref<!tpu.dma_semaphore, #tpu.memory_space<semaphore_mem>>) src(%dma_wait3A_185 : memref<40x128xf32, #tpu.memory_space<hbm>>) dst(%arg11 : memref<40x128xf32, #tpu.memory_space<vmem>>)
      %dma_wait3A_186 = arith.constant 0 : i32
      %dma_wait3A_187 = arith.constant 0 : i32
      %dma_wait3A_188 = tpu.memref_slice %arg3[%dma_wait3A_186, %dma_wait3A_187] : memref<320000x128xf32, #tpu.memory_space<hbm>> -> memref<40x128xf32, #tpu.memory_space<hbm>>
      %dma_wait3A_189 = arith.constant 0 : i32
      %dma_wait3A_190 = arith.constant 0 : i32
      %dma_wait3A_191 = tpu.memref_slice %arg3[%dma_wait3A_189, %dma_wait3A_190] : memref<320000x128xf32, #tpu.memory_space<hbm>> -> memref<40x128xf32, #tpu.memory_space<hbm>>
      tpu.wait_dma2 semaphore(%arg20 : memref<!tpu.dma_semaphore, #tpu.memory_space<semaphore_mem>>) src(%dma_wait3A_191 : memref<40x128xf32, #tpu.memory_space<hbm>>) dst(%arg13 : memref<40x128xf32, #tpu.memory_space<vmem>>)
      %dma_wait3A_192 = arith.constant 0 : i32
      %dma_wait3A_193 = arith.constant 0 : i32
      %dma_wait3A_194 = tpu.memref_slice %arg3[%dma_wait3A_192, %dma_wait3A_193] : memref<320000x128xf32, #tpu.memory_space<hbm>> -> memref<40x128xf32, #tpu.memory_space<hbm>>
      %dma_wait3A_195 = arith.constant 0 : i32
      %dma_wait3A_196 = arith.constant 0 : i32
      %dma_wait3A_197 = tpu.memref_slice %arg3[%dma_wait3A_195, %dma_wait3A_196] : memref<320000x128xf32, #tpu.memory_space<hbm>> -> memref<40x128xf32, #tpu.memory_space<hbm>>
      tpu.wait_dma2 semaphore(%arg20 : memref<!tpu.dma_semaphore, #tpu.memory_space<semaphore_mem>>) src(%dma_wait3A_197 : memref<40x128xf32, #tpu.memory_space<hbm>>) dst(%arg15 : memref<40x128xf32, #tpu.memory_space<vmem>>)
      %div3A_198 = arith.constant 10 : i32
      %div3A_199 = arith.divsi %add3A_167, %div3A_198 : i32
      %rem3A_200 = arith.constant 3 : i32
      %rem3A_201 = arith.remsi %div3A_199, %rem3A_200 : i32
      %rem3A_202 = arith.constant 10 : i32
      %rem3A_203 = arith.remsi %add3A_167, %rem3A_202 : i32
      %parallel_loop3A_204 = arith.constant 0 : i32
      %parallel_loop3A_205 = arith.constant 40 : i32
      %parallel_loop3A_206 = arith.constant 1 : i32
      scf.for %parallel_loop3A_229 = %parallel_loop3A_204 to %parallel_loop3A_205 step %parallel_loop3A_206  : i32 {
        %parallel_loop3A_230 = arith.index_cast %parallel_loop3A_229 : i32 to index
        %parallel_loop3A_231 = arith.constant 0 : index
        %parallel_loop3A_232 = tpu.vector_load %arg13[%parallel_loop3A_230, %parallel_loop3A_231] {strides = array<i32>} : memref<40x128xf32, #tpu.memory_space<vmem>>, vector<1x16xf32>,
        %parallel_loop3A_233 = vector.shape_cast %parallel_loop3A_232 : vector<1x16xf32> to vector<16xf32>
        %parallel_loop3A_234 = arith.index_cast %parallel_loop3A_229 : i32 to index
        %parallel_loop3A_235 = arith.constant 0 : index
        %parallel_loop3A_236 = tpu.vector_load %arg11[%parallel_loop3A_234, %parallel_loop3A_235] {strides = array<i32>} : memref<40x128xf32, #tpu.memory_space<vmem>>, vector<1x16xf32>,
        %parallel_loop3A_237 = vector.shape_cast %parallel_loop3A_236 : vector<1x16xf32> to vector<16xf32>
        %parallel_loop3A_238 = arith.mulf %parallel_loop3A_233, %parallel_loop3A_237 : vector<16xf32>
        %parallel_loop3A_239 = arith.index_cast %parallel_loop3A_229 : i32 to index
        %parallel_loop3A_240 = arith.constant 0 : index
        %parallel_loop3A_241 = tpu.vector_load %arg13[%parallel_loop3A_239, %parallel_loop3A_240] {strides = array<i32>} : memref<40x128xf32, #tpu.memory_space<vmem>>, vector<1x16xf32>,
        %parallel_loop3A_242 = vector.shape_cast %parallel_loop3A_241 : vector<1x16xf32> to vector<16xf32>
        %parallel_loop3A_243 = vector.shape_cast %parallel_loop3A_238 : vector<16xf32> to vector<1x16xf32>
        tpu.vector_store %arg13[%parallel_loop3A_239, %parallel_loop3A_240], %parallel_loop3A_243 {strides = array<i32>} : memref<40x128xf32, #tpu.memory_space<vmem>>, vector<1x16xf32>,
        %parallel_loop3A_244 = arith.index_cast %parallel_loop3A_229 : i32 to index
        %parallel_loop3A_245 = arith.constant 16 : index
        %parallel_loop3A_246 = tpu.vector_load %arg13[%parallel_loop3A_244, %parallel_loop3A_245] {strides = array<i32>} : memref<40x128xf32, #tpu.memory_space<vmem>>, vector<1x16xf32>,
        %parallel_loop3A_247 = vector.shape_cast %parallel_loop3A_246 : vector<1x16xf32> to vector<16xf32>
        %parallel_loop3A_248 = arith.index_cast %parallel_loop3A_229 : i32 to index
        %parallel_loop3A_249 = arith.constant 16 : index
        %parallel_loop3A_250 = tpu.vector_load %arg11[%parallel_loop3A_248, %parallel_loop3A_249] {strides = array<i32>} : memref<40x128xf32, #tpu.memory_space<vmem>>, vector<1x16xf32>,
        %parallel_loop3A_251 = vector.shape_cast %parallel_loop3A_250 : vector<1x16xf32> to vector<16xf32>
        %parallel_loop3A_252 = arith.mulf %parallel_loop3A_247, %parallel_loop3A_251 : vector<16xf32>
        %parallel_loop3A_253 = arith.index_cast %parallel_loop3A_229 : i32 to index
        %parallel_loop3A_254 = arith.constant 16 : index
        %parallel_loop3A_255 = tpu.vector_load %arg13[%parallel_loop3A_253, %parallel_loop3A_254] {strides = array<i32>} : memref<40x128xf32, #tpu.memory_space<vmem>>, vector<1x16xf32>,
        %parallel_loop3A_256 = vector.shape_cast %parallel_loop3A_255 : vector<1x16xf32> to vector<16xf32>
        %parallel_loop3A_257 = vector.shape_cast %parallel_loop3A_252 : vector<16xf32> to vector<1x16xf32>
        tpu.vector_store %arg13[%parallel_loop3A_253, %parallel_loop3A_254], %parallel_loop3A_257 {strides = array<i32>} : memref<40x128xf32, #tpu.memory_space<vmem>>, vector<1x16xf32>,
        %parallel_loop3A_258 = arith.index_cast %parallel_loop3A_229 : i32 to index
        %parallel_loop3A_259 = arith.constant 32 : index
        %parallel_loop3A_260 = tpu.vector_load %arg13[%parallel_loop3A_258, %parallel_loop3A_259] {strides = array<i32>} : memref<40x128xf32, #tpu.memory_space<vmem>>, vector<1x16xf32>,
        %parallel_loop3A_261 = vector.shape_cast %parallel_loop3A_260 : vector<1x16xf32> to vector<16xf32>
        %parallel_loop3A_262 = arith.index_cast %parallel_loop3A_229 : i32 to index
        %parallel_loop3A_263 = arith.constant 32 : index
        %parallel_loop3A_264 = tpu.vector_load %arg11[%parallel_loop3A_262, %parallel_loop3A_263] {strides = array<i32>} : memref<40x128xf32, #tpu.memory_space<vmem>>, vector<1x16xf32>,
        %parallel_loop3A_265 = vector.shape_cast %parallel_loop3A_264 : vector<1x16xf32> to vector<16xf32>
        %parallel_loop3A_266 = arith.mulf %parallel_loop3A_261, %parallel_loop3A_265 : vector<16xf32>
        %parallel_loop3A_267 = arith.index_cast %parallel_loop3A_229 : i32 to index
        %parallel_loop3A_268 = arith.constant 32 : index
        %parallel_loop3A_269 = tpu.vector_load %arg13[%parallel_loop3A_267, %parallel_loop3A_268] {strides = array<i32>} : memref<40x128xf32, #tpu.memory_space<vmem>>, vector<1x16xf32>,
        %parallel_loop3A_270 = vector.shape_cast %parallel_loop3A_269 : vector<1x16xf32> to vector<16xf32>
        %parallel_loop3A_271 = vector.shape_cast %parallel_loop3A_266 : vector<16xf32> to vector<1x16xf32>
        tpu.vector_store %arg13[%parallel_loop3A_267, %parallel_loop3A_268], %parallel_loop3A_271 {strides = array<i32>} : memref<40x128xf32, #tpu.memory_space<vmem>>, vector<1x16xf32>,
        %parallel_loop3A_272 = arith.index_cast %parallel_loop3A_229 : i32 to index
        %parallel_loop3A_273 = arith.constant 48 : index
        %parallel_loop3A_274 = tpu.vector_load %arg13[%parallel_loop3A_272, %parallel_loop3A_273] {strides = array<i32>} : memref<40x128xf32, #tpu.memory_space<vmem>>, vector<1x16xf32>,
        %parallel_loop3A_275 = vector.shape_cast %parallel_loop3A_274 : vector<1x16xf32> to vector<16xf32>
        %parallel_loop3A_276 = arith.index_cast %parallel_loop3A_229 : i32 to index
        %parallel_loop3A_277 = arith.constant 48 : index
        %parallel_loop3A_278 = tpu.vector_load %arg11[%parallel_loop3A_276, %parallel_loop3A_277] {strides = array<i32>} : memref<40x128xf32, #tpu.memory_space<vmem>>, vector<1x16xf32>,
        %parallel_loop3A_279 = vector.shape_cast %parallel_loop3A_278 : vector<1x16xf32> to vector<16xf32>
        %parallel_loop3A_280 = arith.mulf %parallel_loop3A_275, %parallel_loop3A_279 : vector<16xf32>
        %parallel_loop3A_281 = arith.index_cast %parallel_loop3A_229 : i32 to index
        %parallel_loop3A_282 = arith.constant 48 : index
        %parallel_loop3A_283 = tpu.vector_load %arg13[%parallel_loop3A_281, %parallel_loop3A_282] {strides = array<i32>} : memref<40x128xf32, #tpu.memory_space<vmem>>, vector<1x16xf32>,
        %parallel_loop3A_284 = vector.shape_cast %parallel_loop3A_283 : vector<1x16xf32> to vector<16xf32>
        %parallel_loop3A_285 = vector.shape_cast %parallel_loop3A_280 : vector<16xf32> to vector<1x16xf32>
        tpu.vector_store %arg13[%parallel_loop3A_281, %parallel_loop3A_282], %parallel_loop3A_285 {strides = array<i32>} : memref<40x128xf32, #tpu.memory_space<vmem>>, vector<1x16xf32>,
        %parallel_loop3A_286 = arith.index_cast %parallel_loop3A_229 : i32 to index
        %parallel_loop3A_287 = arith.constant 64 : index
        %parallel_loop3A_288 = tpu.vector_load %arg13[%parallel_loop3A_286, %parallel_loop3A_287] {strides = array<i32>} : memref<40x128xf32, #tpu.memory_space<vmem>>, vector<1x16xf32>,
        %parallel_loop3A_289 = vector.shape_cast %parallel_loop3A_288 : vector<1x16xf32> to vector<16xf32>
        %parallel_loop3A_290 = arith.index_cast %parallel_loop3A_229 : i32 to index
        %parallel_loop3A_291 = arith.constant 64 : index
        %parallel_loop3A_292 = tpu.vector_load %arg11[%parallel_loop3A_290, %parallel_loop3A_291] {strides = array<i32>} : memref<40x128xf32, #tpu.memory_space<vmem>>, vector<1x16xf32>,
        %parallel_loop3A_293 = vector.shape_cast %parallel_loop3A_292 : vector<1x16xf32> to vector<16xf32>
        %parallel_loop3A_294 = arith.mulf %parallel_loop3A_289, %parallel_loop3A_293 : vector<16xf32>
        %parallel_loop3A_295 = arith.index_cast %parallel_loop3A_229 : i32 to index
        %parallel_loop3A_296 = arith.constant 64 : index
        %parallel_loop3A_297 = tpu.vector_load %arg13[%parallel_loop3A_295, %parallel_loop3A_296] {strides = array<i32>} : memref<40x128xf32, #tpu.memory_space<vmem>>, vector<1x16xf32>,
        %parallel_loop3A_298 = vector.shape_cast %parallel_loop3A_297 : vector<1x16xf32> to vector<16xf32>
        %parallel_loop3A_299 = vector.shape_cast %parallel_loop3A_294 : vector<16xf32> to vector<1x16xf32>
        tpu.vector_store %arg13[%parallel_loop3A_295, %parallel_loop3A_296], %parallel_loop3A_299 {strides = array<i32>} : memref<40x128xf32, #tpu.memory_space<vmem>>, vector<1x16xf32>,
        %parallel_loop3A_300 = arith.index_cast %parallel_loop3A_229 : i32 to index
        %parallel_loop3A_301 = arith.constant 80 : index
        %parallel_loop3A_302 = tpu.vector_load %arg13[%parallel_loop3A_300, %parallel_loop3A_301] {strides = array<i32>} : memref<40x128xf32, #tpu.memory_space<vmem>>, vector<1x16xf32>,
        %parallel_loop3A_303 = vector.shape_cast %parallel_loop3A_302 : vector<1x16xf32> to vector<16xf32>
        %parallel_loop3A_304 = arith.index_cast %parallel_loop3A_229 : i32 to index
        %parallel_loop3A_305 = arith.constant 80 : index
        %parallel_loop3A_306 = tpu.vector_load %arg11[%parallel_loop3A_304, %parallel_loop3A_305] {strides = array<i32>} : memref<40x128xf32, #tpu.memory_space<vmem>>, vector<1x16xf32>,
        %parallel_loop3A_307 = vector.shape_cast %parallel_loop3A_306 : vector<1x16xf32> to vector<16xf32>
        %parallel_loop3A_308 = arith.mulf %parallel_loop3A_303, %parallel_loop3A_307 : vector<16xf32>
        %parallel_loop3A_309 = arith.index_cast %parallel_loop3A_229 : i32 to index
        %parallel_loop3A_310 = arith.constant 80 : index
        %parallel_loop3A_311 = tpu.vector_load %arg13[%parallel_loop3A_309, %parallel_loop3A_310] {strides = array<i32>} : memref<40x128xf32, #tpu.memory_space<vmem>>, vector<1x16xf32>,
        %parallel_loop3A_312 = vector.shape_cast %parallel_loop3A_311 : vector<1x16xf32> to vector<16xf32>
        %parallel_loop3A_313 = vector.shape_cast %parallel_loop3A_308 : vector<16xf32> to vector<1x16xf32>
        tpu.vector_store %arg13[%parallel_loop3A_309, %parallel_loop3A_310], %parallel_loop3A_313 {strides = array<i32>} : memref<40x128xf32, #tpu.memory_space<vmem>>, vector<1x16xf32>,
        %parallel_loop3A_314 = arith.index_cast %parallel_loop3A_229 : i32 to index
        %parallel_loop3A_315 = arith.constant 96 : index
        %parallel_loop3A_316 = tpu.vector_load %arg13[%parallel_loop3A_314, %parallel_loop3A_315] {strides = array<i32>} : memref<40x128xf32, #tpu.memory_space<vmem>>, vector<1x16xf32>,
        %parallel_loop3A_317 = vector.shape_cast %parallel_loop3A_316 : vector<1x16xf32> to vector<16xf32>
        %parallel_loop3A_318 = arith.index_cast %parallel_loop3A_229 : i32 to index
        %parallel_loop3A_319 = arith.constant 96 : index
        %parallel_loop3A_320 = tpu.vector_load %arg11[%parallel_loop3A_318, %parallel_loop3A_319] {strides = array<i32>} : memref<40x128xf32, #tpu.memory_space<vmem>>, vector<1x16xf32>,
        %parallel_loop3A_321 = vector.shape_cast %parallel_loop3A_320 : vector<1x16xf32> to vector<16xf32>
        %parallel_loop3A_322 = arith.mulf %parallel_loop3A_317, %parallel_loop3A_321 : vector<16xf32>
        %parallel_loop3A_323 = arith.index_cast %parallel_loop3A_229 : i32 to index
        %parallel_loop3A_324 = arith.constant 96 : index
        %parallel_loop3A_325 = tpu.vector_load %arg13[%parallel_loop3A_323, %parallel_loop3A_324] {strides = array<i32>} : memref<40x128xf32, #tpu.memory_space<vmem>>, vector<1x16xf32>,
        %parallel_loop3A_326 = vector.shape_cast %parallel_loop3A_325 : vector<1x16xf32> to vector<16xf32>
        %parallel_loop3A_327 = vector.shape_cast %parallel_loop3A_322 : vector<16xf32> to vector<1x16xf32>
        tpu.vector_store %arg13[%parallel_loop3A_323, %parallel_loop3A_324], %parallel_loop3A_327 {strides = array<i32>} : memref<40x128xf32, #tpu.memory_space<vmem>>, vector<1x16xf32>,
        %parallel_loop3A_328 = arith.index_cast %parallel_loop3A_229 : i32 to index
        %parallel_loop3A_329 = arith.constant 112 : index
        %parallel_loop3A_330 = tpu.vector_load %arg13[%parallel_loop3A_328, %parallel_loop3A_329] {strides = array<i32>} : memref<40x128xf32, #tpu.memory_space<vmem>>, vector<1x16xf32>,
        %parallel_loop3A_331 = vector.shape_cast %parallel_loop3A_330 : vector<1x16xf32> to vector<16xf32>
        %parallel_loop3A_332 = arith.index_cast %parallel_loop3A_229 : i32 to index
        %parallel_loop3A_333 = arith.constant 112 : index
        %parallel_loop3A_334 = tpu.vector_load %arg11[%parallel_loop3A_332, %parallel_loop3A_333] {strides = array<i32>} : memref<40x128xf32, #tpu.memory_space<vmem>>, vector<1x16xf32>,
        %parallel_loop3A_335 = vector.shape_cast %parallel_loop3A_334 : vector<1x16xf32> to vector<16xf32>
        %parallel_loop3A_336 = arith.mulf %parallel_loop3A_331, %parallel_loop3A_335 : vector<16xf32>
        %parallel_loop3A_337 = arith.index_cast %parallel_loop3A_229 : i32 to index
        %parallel_loop3A_338 = arith.constant 112 : index
        %parallel_loop3A_339 = tpu.vector_load %arg13[%parallel_loop3A_337, %parallel_loop3A_338] {strides = array<i32>} : memref<40x128xf32, #tpu.memory_space<vmem>>, vector<1x16xf32>,
        %parallel_loop3A_340 = vector.shape_cast %parallel_loop3A_339 : vector<1x16xf32> to vector<16xf32>
        %parallel_loop3A_341 = vector.shape_cast %parallel_loop3A_336 : vector<16xf32> to vector<1x16xf32>
        tpu.vector_store %arg13[%parallel_loop3A_337, %parallel_loop3A_338], %parallel_loop3A_341 {strides = array<i32>} : memref<40x128xf32, #tpu.memory_space<vmem>>, vector<1x16xf32>,
      } {sc.loop_unroll_factor = 4 : i64, sc.parallel_access}
      %dma_start3A_207 = arith.constant 0 : i32
      %dma_start3A_208 = tpu.memref_slice %arg9[%rem3A_201, %rem3A_203, %dma_start3A_207] : memref<3x10x40xi32, #tpu.memory_space<vmem>> -> memref<1x1x40xi32, #tpu.memory_space<vmem>>
      %dma_start3A_209 = tpu.memref_squeeze %dma_start3A_208 : memref<1x1x40xi32, #tpu.memory_space<vmem>> -> memref<40xi32, #tpu.memory_space<vmem>>
      %dma_start3A_210 = arith.constant 0 : i32
      %dma_start3A_211 = arith.constant 0 : i32
      %dma_start3A_212 = tpu.memref_slice %arg16[%dma_start3A_210, %dma_start3A_211] : memref<10000x128xf32, #tpu.memory_space<vmem_shared>> -> memref<10000x128xf32, #tpu.memory_space<vmem_shared>>
      tpu.enqueue_indirect_dma source(%arg13 : memref<40x128xf32, #tpu.memory_space<vmem>>) target(%dma_start3A_212 : memref<10000x128xf32, #tpu.memory_space<vmem_shared>>) offsets(%dma_start3A_209 : memref<40xi32, #tpu.memory_space<vmem>>) semaphore(%arg22 : memref<!tpu.dma_semaphore, #tpu.memory_space<semaphore_mem>>) {add = true}
      %parallel_loop3A_213 = arith.constant 0 : i32
      %parallel_loop3A_214 = arith.constant 40 : i32
      %parallel_loop3A_215 = arith.constant 1 : i32
      scf.for %parallel_loop3A_229 = %parallel_loop3A_213 to %parallel_loop3A_214 step %parallel_loop3A_215  : i32 {
        %parallel_loop3A_230 = arith.index_cast %parallel_loop3A_229 : i32 to index
        %parallel_loop3A_231 = arith.constant 0 : index
        %parallel_loop3A_232 = tpu.vector_load %arg15[%parallel_loop3A_230, %parallel_loop3A_231] {strides = array<i32>} : memref<40x128xf32, #tpu.memory_space<vmem>>, vector<1x16xf32>,
        %parallel_loop3A_233 = vector.shape_cast %parallel_loop3A_232 : vector<1x16xf32> to vector<16xf32>
        %parallel_loop3A_234 = arith.index_cast %parallel_loop3A_229 : i32 to index
        %parallel_loop3A_235 = arith.constant 0 : index
        %parallel_loop3A_236 = tpu.vector_load %arg11[%parallel_loop3A_234, %parallel_loop3A_235] {strides = array<i32>} : memref<40x128xf32, #tpu.memory_space<vmem>>, vector<1x16xf32>,
        %parallel_loop3A_237 = vector.shape_cast %parallel_loop3A_236 : vector<1x16xf32> to vector<16xf32>
        %parallel_loop3A_238 = arith.mulf %parallel_loop3A_233, %parallel_loop3A_237 : vector<16xf32>
        %parallel_loop3A_239 = arith.index_cast %parallel_loop3A_229 : i32 to index
        %parallel_loop3A_240 = arith.constant 0 : index
        %parallel_loop3A_241 = tpu.vector_load %arg15[%parallel_loop3A_239, %parallel_loop3A_240] {strides = array<i32>} : memref<40x128xf32, #tpu.memory_space<vmem>>, vector<1x16xf32>,
        %parallel_loop3A_242 = vector.shape_cast %parallel_loop3A_241 : vector<1x16xf32> to vector<16xf32>
        %parallel_loop3A_243 = vector.shape_cast %parallel_loop3A_238 : vector<16xf32> to vector<1x16xf32>
        tpu.vector_store %arg15[%parallel_loop3A_239, %parallel_loop3A_240], %parallel_loop3A_243 {strides = array<i32>} : memref<40x128xf32, #tpu.memory_space<vmem>>, vector<1x16xf32>,
        %parallel_loop3A_244 = arith.index_cast %parallel_loop3A_229 : i32 to index
        %parallel_loop3A_245 = arith.constant 16 : index
        %parallel_loop3A_246 = tpu.vector_load %arg15[%parallel_loop3A_244, %parallel_loop3A_245] {strides = array<i32>} : memref<40x128xf32, #tpu.memory_space<vmem>>, vector<1x16xf32>,
        %parallel_loop3A_247 = vector.shape_cast %parallel_loop3A_246 : vector<1x16xf32> to vector<16xf32>
        %parallel_loop3A_248 = arith.index_cast %parallel_loop3A_229 : i32 to index
        %parallel_loop3A_249 = arith.constant 16 : index
        %parallel_loop3A_250 = tpu.vector_load %arg11[%parallel_loop3A_248, %parallel_loop3A_249] {strides = array<i32>} : memref<40x128xf32, #tpu.memory_space<vmem>>, vector<1x16xf32>,
        %parallel_loop3A_251 = vector.shape_cast %parallel_loop3A_250 : vector<1x16xf32> to vector<16xf32>
        %parallel_loop3A_252 = arith.mulf %parallel_loop3A_247, %parallel_loop3A_251 : vector<16xf32>
        %parallel_loop3A_253 = arith.index_cast %parallel_loop3A_229 : i32 to index
        %parallel_loop3A_254 = arith.constant 16 : index
        %parallel_loop3A_255 = tpu.vector_load %arg15[%parallel_loop3A_253, %parallel_loop3A_254] {strides = array<i32>} : memref<40x128xf32, #tpu.memory_space<vmem>>, vector<1x16xf32>,
        %parallel_loop3A_256 = vector.shape_cast %parallel_loop3A_255 : vector<1x16xf32> to vector<16xf32>
        %parallel_loop3A_257 = vector.shape_cast %parallel_loop3A_252 : vector<16xf32> to vector<1x16xf32>
        tpu.vector_store %arg15[%parallel_loop3A_253, %parallel_loop3A_254], %parallel_loop3A_257 {strides = array<i32>} : memref<40x128xf32, #tpu.memory_space<vmem>>, vector<1x16xf32>,
        %parallel_loop3A_258 = arith.index_cast %parallel_loop3A_229 : i32 to index
        %parallel_loop3A_259 = arith.constant 32 : index
        %parallel_loop3A_260 = tpu.vector_load %arg15[%parallel_loop3A_258, %parallel_loop3A_259] {strides = array<i32>} : memref<40x128xf32, #tpu.memory_space<vmem>>, vector<1x16xf32>,
        %parallel_loop3A_261 = vector.shape_cast %parallel_loop3A_260 : vector<1x16xf32> to vector<16xf32>
        %parallel_loop3A_262 = arith.index_cast %parallel_loop3A_229 : i32 to index
        %parallel_loop3A_263 = arith.constant 32 : index
        %parallel_loop3A_264 = tpu.vector_load %arg11[%parallel_loop3A_262, %parallel_loop3A_263] {strides = array<i32>} : memref<40x128xf32, #tpu.memory_space<vmem>>, vector<1x16xf32>,
        %parallel_loop3A_265 = vector.shape_cast %parallel_loop3A_264 : vector<1x16xf32> to vector<16xf32>
        %parallel_loop3A_266 = arith.mulf %parallel_loop3A_261, %parallel_loop3A_265 : vector<16xf32>
        %parallel_loop3A_267 = arith.index_cast %parallel_loop3A_229 : i32 to index
        %parallel_loop3A_268 = arith.constant 32 : index
        %parallel_loop3A_269 = tpu.vector_load %arg15[%parallel_loop3A_267, %parallel_loop3A_268] {strides = array<i32>} : memref<40x128xf32, #tpu.memory_space<vmem>>, vector<1x16xf32>,
        %parallel_loop3A_270 = vector.shape_cast %parallel_loop3A_269 : vector<1x16xf32> to vector<16xf32>
        %parallel_loop3A_271 = vector.shape_cast %parallel_loop3A_266 : vector<16xf32> to vector<1x16xf32>
        tpu.vector_store %arg15[%parallel_loop3A_267, %parallel_loop3A_268], %parallel_loop3A_271 {strides = array<i32>} : memref<40x128xf32, #tpu.memory_space<vmem>>, vector<1x16xf32>,
        %parallel_loop3A_272 = arith.index_cast %parallel_loop3A_229 : i32 to index
        %parallel_loop3A_273 = arith.constant 48 : index
        %parallel_loop3A_274 = tpu.vector_load %arg15[%parallel_loop3A_272, %parallel_loop3A_273] {strides = array<i32>} : memref<40x128xf32, #tpu.memory_space<vmem>>, vector<1x16xf32>,
        %parallel_loop3A_275 = vector.shape_cast %parallel_loop3A_274 : vector<1x16xf32> to vector<16xf32>
        %parallel_loop3A_276 = arith.index_cast %parallel_loop3A_229 : i32 to index
        %parallel_loop3A_277 = arith.constant 48 : index
        %parallel_loop3A_278 = tpu.vector_load %arg11[%parallel_loop3A_276, %parallel_loop3A_277] {strides = array<i32>} : memref<40x128xf32, #tpu.memory_space<vmem>>, vector<1x16xf32>,
        %parallel_loop3A_279 = vector.shape_cast %parallel_loop3A_278 : vector<1x16xf32> to vector<16xf32>
        %parallel_loop3A_280 = arith.mulf %parallel_loop3A_275, %parallel_loop3A_279 : vector<16xf32>
        %parallel_loop3A_281 = arith.index_cast %parallel_loop3A_229 : i32 to index
        %parallel_loop3A_282 = arith.constant 48 : index
        %parallel_loop3A_283 = tpu.vector_load %arg15[%parallel_loop3A_281, %parallel_loop3A_282] {strides = array<i32>} : memref<40x128xf32, #tpu.memory_space<vmem>>, vector<1x16xf32>,
        %parallel_loop3A_284 = vector.shape_cast %parallel_loop3A_283 : vector<1x16xf32> to vector<16xf32>
        %parallel_loop3A_285 = vector.shape_cast %parallel_loop3A_280 : vector<16xf32> to vector<1x16xf32>
        tpu.vector_store %arg15[%parallel_loop3A_281, %parallel_loop3A_282], %parallel_loop3A_285 {strides = array<i32>} : memref<40x128xf32, #tpu.memory_space<vmem>>, vector<1x16xf32>,
        %parallel_loop3A_286 = arith.index_cast %parallel_loop3A_229 : i32 to index
        %parallel_loop3A_287 = arith.constant 64 : index
        %parallel_loop3A_288 = tpu.vector_load %arg15[%parallel_loop3A_286, %parallel_loop3A_287] {strides = array<i32>} : memref<40x128xf32, #tpu.memory_space<vmem>>, vector<1x16xf32>,
        %parallel_loop3A_289 = vector.shape_cast %parallel_loop3A_288 : vector<1x16xf32> to vector<16xf32>
        %parallel_loop3A_290 = arith.index_cast %parallel_loop3A_229 : i32 to index
        %parallel_loop3A_291 = arith.constant 64 : index
        %parallel_loop3A_292 = tpu.vector_load %arg11[%parallel_loop3A_290, %parallel_loop3A_291] {strides = array<i32>} : memref<40x128xf32, #tpu.memory_space<vmem>>, vector<1x16xf32>,
        %parallel_loop3A_293 = vector.shape_cast %parallel_loop3A_292 : vector<1x16xf32> to vector<16xf32>
        %parallel_loop3A_294 = arith.mulf %parallel_loop3A_289, %parallel_loop3A_293 : vector<16xf32>
        %parallel_loop3A_295 = arith.index_cast %parallel_loop3A_229 : i32 to index
        %parallel_loop3A_296 = arith.constant 64 : index
        %parallel_loop3A_297 = tpu.vector_load %arg15[%parallel_loop3A_295, %parallel_loop3A_296] {strides = array<i32>} : memref<40x128xf32, #tpu.memory_space<vmem>>, vector<1x16xf32>,
        %parallel_loop3A_298 = vector.shape_cast %parallel_loop3A_297 : vector<1x16xf32> to vector<16xf32>
        %parallel_loop3A_299 = vector.shape_cast %parallel_loop3A_294 : vector<16xf32> to vector<1x16xf32>
        tpu.vector_store %arg15[%parallel_loop3A_295, %parallel_loop3A_296], %parallel_loop3A_299 {strides = array<i32>} : memref<40x128xf32, #tpu.memory_space<vmem>>, vector<1x16xf32>,
        %parallel_loop3A_300 = arith.index_cast %parallel_loop3A_229 : i32 to index
        %parallel_loop3A_301 = arith.constant 80 : index
        %parallel_loop3A_302 = tpu.vector_load %arg15[%parallel_loop3A_300, %parallel_loop3A_301] {strides = array<i32>} : memref<40x128xf32, #tpu.memory_space<vmem>>, vector<1x16xf32>,
        %parallel_loop3A_303 = vector.shape_cast %parallel_loop3A_302 : vector<1x16xf32> to vector<16xf32>
        %parallel_loop3A_304 = arith.index_cast %parallel_loop3A_229 : i32 to index
        %parallel_loop3A_305 = arith.constant 80 : index
        %parallel_loop3A_306 = tpu.vector_load %arg11[%parallel_loop3A_304, %parallel_loop3A_305] {strides = array<i32>} : memref<40x128xf32, #tpu.memory_space<vmem>>, vector<1x16xf32>,
        %parallel_loop3A_307 = vector.shape_cast %parallel_loop3A_306 : vector<1x16xf32> to vector<16xf32>
        %parallel_loop3A_308 = arith.mulf %parallel_loop3A_303, %parallel_loop3A_307 : vector<16xf32>
        %parallel_loop3A_309 = arith.index_cast %parallel_loop3A_229 : i32 to index
        %parallel_loop3A_310 = arith.constant 80 : index
        %parallel_loop3A_311 = tpu.vector_load %arg15[%parallel_loop3A_309, %parallel_loop3A_310] {strides = array<i32>} : memref<40x128xf32, #tpu.memory_space<vmem>>, vector<1x16xf32>,
        %parallel_loop3A_312 = vector.shape_cast %parallel_loop3A_311 : vector<1x16xf32> to vector<16xf32>
        %parallel_loop3A_313 = vector.shape_cast %parallel_loop3A_308 : vector<16xf32> to vector<1x16xf32>
        tpu.vector_store %arg15[%parallel_loop3A_309, %parallel_loop3A_310], %parallel_loop3A_313 {strides = array<i32>} : memref<40x128xf32, #tpu.memory_space<vmem>>, vector<1x16xf32>,
        %parallel_loop3A_314 = arith.index_cast %parallel_loop3A_229 : i32 to index
        %parallel_loop3A_315 = arith.constant 96 : index
        %parallel_loop3A_316 = tpu.vector_load %arg15[%parallel_loop3A_314, %parallel_loop3A_315] {strides = array<i32>} : memref<40x128xf32, #tpu.memory_space<vmem>>, vector<1x16xf32>,
        %parallel_loop3A_317 = vector.shape_cast %parallel_loop3A_316 : vector<1x16xf32> to vector<16xf32>
        %parallel_loop3A_318 = arith.index_cast %parallel_loop3A_229 : i32 to index
        %parallel_loop3A_319 = arith.constant 96 : index
        %parallel_loop3A_320 = tpu.vector_load %arg11[%parallel_loop3A_318, %parallel_loop3A_319] {strides = array<i32>} : memref<40x128xf32, #tpu.memory_space<vmem>>, vector<1x16xf32>,
        %parallel_loop3A_321 = vector.shape_cast %parallel_loop3A_320 : vector<1x16xf32> to vector<16xf32>
        %parallel_loop3A_322 = arith.mulf %parallel_loop3A_317, %parallel_loop3A_321 : vector<16xf32>
        %parallel_loop3A_323 = arith.index_cast %parallel_loop3A_229 : i32 to index
        %parallel_loop3A_324 = arith.constant 96 : index
        %parallel_loop3A_325 = tpu.vector_load %arg15[%parallel_loop3A_323, %parallel_loop3A_324] {strides = array<i32>} : memref<40x128xf32, #tpu.memory_space<vmem>>, vector<1x16xf32>,
        %parallel_loop3A_326 = vector.shape_cast %parallel_loop3A_325 : vector<1x16xf32> to vector<16xf32>
        %parallel_loop3A_327 = vector.shape_cast %parallel_loop3A_322 : vector<16xf32> to vector<1x16xf32>
        tpu.vector_store %arg15[%parallel_loop3A_323, %parallel_loop3A_324], %parallel_loop3A_327 {strides = array<i32>} : memref<40x128xf32, #tpu.memory_space<vmem>>, vector<1x16xf32>,
        %parallel_loop3A_328 = arith.index_cast %parallel_loop3A_229 : i32 to index
        %parallel_loop3A_329 = arith.constant 112 : index
        %parallel_loop3A_330 = tpu.vector_load %arg15[%parallel_loop3A_328, %parallel_loop3A_329] {strides = array<i32>} : memref<40x128xf32, #tpu.memory_space<vmem>>, vector<1x16xf32>,
        %parallel_loop3A_331 = vector.shape_cast %parallel_loop3A_330 : vector<1x16xf32> to vector<16xf32>
        %parallel_loop3A_332 = arith.index_cast %parallel_loop3A_229 : i32 to index
        %parallel_loop3A_333 = arith.constant 112 : index
        %parallel_loop3A_334 = tpu.vector_load %arg11[%parallel_loop3A_332, %parallel_loop3A_333] {strides = array<i32>} : memref<40x128xf32, #tpu.memory_space<vmem>>, vector<1x16xf32>,
        %parallel_loop3A_335 = vector.shape_cast %parallel_loop3A_334 : vector<1x16xf32> to vector<16xf32>
        %parallel_loop3A_336 = arith.mulf %parallel_loop3A_331, %parallel_loop3A_335 : vector<16xf32>
        %parallel_loop3A_337 = arith.index_cast %parallel_loop3A_229 : i32 to index
        %parallel_loop3A_338 = arith.constant 112 : index
        %parallel_loop3A_339 = tpu.vector_load %arg15[%parallel_loop3A_337, %parallel_loop3A_338] {strides = array<i32>} : memref<40x128xf32, #tpu.memory_space<vmem>>, vector<1x16xf32>,
        %parallel_loop3A_340 = vector.shape_cast %parallel_loop3A_339 : vector<1x16xf32> to vector<16xf32>
        %parallel_loop3A_341 = vector.shape_cast %parallel_loop3A_336 : vector<16xf32> to vector<1x16xf32>
        tpu.vector_store %arg15[%parallel_loop3A_337, %parallel_loop3A_338], %parallel_loop3A_341 {strides = array<i32>} : memref<40x128xf32, #tpu.memory_space<vmem>>, vector<1x16xf32>,
      } {sc.loop_unroll_factor = 4 : i64, sc.parallel_access}
      %dma_start3A_216 = arith.constant 0 : i32
      %dma_start3A_217 = tpu.memref_slice %arg8[%rem3A_201, %rem3A_203, %dma_start3A_216] : memref<3x10x40xi32, #tpu.memory_space<vmem>> -> memref<1x1x40xi32, #tpu.memory_space<vmem>>
      %dma_start3A_218 = tpu.memref_squeeze %dma_start3A_217 : memref<1x1x40xi32, #tpu.memory_space<vmem>> -> memref<40xi32, #tpu.memory_space<vmem>>
      %dma_start3A_219 = arith.constant 0 : i32
      %dma_start3A_220 = arith.constant 0 : i32
      %dma_start3A_221 = tpu.memref_slice %arg16[%dma_start3A_219, %dma_start3A_220] : memref<10000x128xf32, #tpu.memory_space<vmem_shared>> -> memref<10000x128xf32, #tpu.memory_space<vmem_shared>>
      tpu.enqueue_indirect_dma source(%arg15 : memref<40x128xf32, #tpu.memory_space<vmem>>) target(%dma_start3A_221 : memref<10000x128xf32, #tpu.memory_space<vmem_shared>>) offsets(%dma_start3A_218 : memref<40xi32, #tpu.memory_space<vmem>>) semaphore(%arg22 : memref<!tpu.dma_semaphore, #tpu.memory_space<semaphore_mem>>) {add = true}
      %add3A_222 = arith.constant 2 : i32
      %add3A_223 = arith.addi %add3A_167, %add3A_222 : i32
      %lt3A_224 = arith.constant 250 : i32
      %lt3A_225 = arith.cmpi slt, %add3A_223, %lt3A_224 : i32
      %convert_element_type3A_226 = arith.extui %lt3A_225 : i1 to i32
      %cond3A_227 = arith.constant 0 : i32
      %cond3A_228 = arith.cmpi ne, %convert_element_type3A_226, %cond3A_227 : i32
      scf.if %cond3A_228 {
        %add3A_229 = arith.constant 2 : i32
        %add3A_230 = arith.addi %add3A_167, %add3A_229 : i32
        %mul3A_231 = arith.constant 10000 : i32
        %mul3A_232 = arith.muli %add3A, %mul3A_231 : i32
        %mul3A_233 = arith.constant 40 : i32
        %mul3A_234 = arith.muli %add3A_230, %mul3A_233 : i32
        %add3A_235 = arith.addi %mul3A_232, %mul3A_234 : i32
        %multiple_of3A_236 = tpu.assume_multiple %add3A_235, 8 : i32
        %dma_start3A_237 = arith.constant 0 : i32
        %dma_start3A_238 = tpu.memref_slice %arg3[%multiple_of3A_236, %dma_start3A_237] : memref<320000x128xf32, #tpu.memory_space<hbm>> -> memref<40x128xf32, #tpu.memory_space<hbm>>
        %dma_start3A_239 = arith.constant 0 : i32
        %dma_start3A_240 = tpu.memref_slice %arg3[%multiple_of3A_236, %dma_start3A_239] : memref<320000x128xf32, #tpu.memory_space<hbm>> -> memref<40x128xf32, #tpu.memory_space<hbm>>
        tpu.enqueue_dma source(%dma_start3A_240 : memref<40x128xf32, #tpu.memory_space<hbm>>) target(%arg11 : memref<40x128xf32, #tpu.memory_space<vmem>>) target_semaphore(%arg18 : memref<!tpu.dma_semaphore, #tpu.memory_space<semaphore_mem>>)
      } else {
      }
    }
    %scan3A_83 = arith.constant 125 : i32
    %dma_wait3A = arith.constant 0 : i32
    %dma_wait3A_84 = arith.constant 0 : i32
    %dma_wait3A_85 = tpu.memref_slice %arg3[%dma_wait3A, %dma_wait3A_84] : memref<320000x128xf32, #tpu.memory_space<hbm>> -> memref<40x128xf32, #tpu.memory_space<hbm>>
    %dma_wait3A_86 = arith.constant 0 : i32
    %dma_wait3A_87 = arith.constant 0 : i32
    %dma_wait3A_88 = tpu.memref_slice %arg3[%dma_wait3A_86, %dma_wait3A_87] : memref<320000x128xf32, #tpu.memory_space<hbm>> -> memref<40x128xf32, #tpu.memory_space<hbm>>
    tpu.wait_dma2 semaphore(%arg22 : memref<!tpu.dma_semaphore, #tpu.memory_space<semaphore_mem>>) src(%dma_wait3A_88 : memref<40x128xf32, #tpu.memory_space<hbm>>) dst(%arg13 : memref<40x128xf32, #tpu.memory_space<vmem>>)
    %dma_wait3A_89 = arith.constant 0 : i32
    %dma_wait3A_90 = arith.constant 0 : i32
    %dma_wait3A_91 = tpu.memref_slice %arg3[%dma_wait3A_89, %dma_wait3A_90] : memref<320000x128xf32, #tpu.memory_space<hbm>> -> memref<40x128xf32, #tpu.memory_space<hbm>>
    %dma_wait3A_92 = arith.constant 0 : i32
    %dma_wait3A_93 = arith.constant 0 : i32
    %dma_wait3A_94 = tpu.memref_slice %arg3[%dma_wait3A_92, %dma_wait3A_93] : memref<320000x128xf32, #tpu.memory_space<hbm>> -> memref<40x128xf32, #tpu.memory_space<hbm>>
    tpu.wait_dma2 semaphore(%arg22 : memref<!tpu.dma_semaphore, #tpu.memory_space<semaphore_mem>>) src(%dma_wait3A_94 : memref<40x128xf32, #tpu.memory_space<hbm>>) dst(%arg15 : memref<40x128xf32, #tpu.memory_space<vmem>>)
    %barrier3A_95 = arith.constant 0 : index
    tpu.barrier barrier_id(%barrier3A_95)
    "tpu.region"() ({
      %run_scoped3A_101 = tpu.sem_alloc : memref<!tpu.dma_semaphore, #tpu.memory_space<semaphore_mem>>
      %dma_start3A_102 = arith.constant 0 : i32
      %dma_start3A_103 = tpu.memref_slice %arg7[%arg0, %multiple_of3A, %dma_start3A_102] : memref<2x10000x128xf32, #tpu.memory_space<hbm>> -> memref<1x624x128xf32, #tpu.memory_space<hbm>>
      %dma_start3A_104 = tpu.memref_squeeze %dma_start3A_103 : memref<1x624x128xf32, #tpu.memory_space<hbm>> -> memref<624x128xf32, #tpu.memory_space<hbm>>
      %dma_start3A_105 = arith.constant 0 : i32
      %dma_start3A_106 = tpu.memref_slice %arg16[%multiple_of3A, %dma_start3A_105] : memref<10000x128xf32, #tpu.memory_space<vmem_shared>> -> memref<624x128xf32, #tpu.memory_space<vmem_shared>>
      tpu.enqueue_dma source(%dma_start3A_106 : memref<624x128xf32, #tpu.memory_space<vmem_shared>>) target(%dma_start3A_104 : memref<624x128xf32, #tpu.memory_space<hbm>>) target_semaphore(%run_scoped3A_101 : memref<!tpu.dma_semaphore, #tpu.memory_space<semaphore_mem>>)
      %dma_wait3A_107 = arith.constant 0 : i32
      %dma_wait3A_108 = tpu.memref_slice %arg7[%arg0, %multiple_of3A, %dma_wait3A_107] : memref<2x10000x128xf32, #tpu.memory_space<hbm>> -> memref<1x624x128xf32, #tpu.memory_space<hbm>>
      %dma_wait3A_109 = tpu.memref_squeeze %dma_wait3A_108 : memref<1x624x128xf32, #tpu.memory_space<hbm>> -> memref<624x128xf32, #tpu.memory_space<hbm>>
      %dma_wait3A_110 = arith.constant 0 : i32
      %dma_wait3A_111 = tpu.memref_slice %arg16[%multiple_of3A, %dma_wait3A_110] : memref<10000x128xf32, #tpu.memory_space<vmem_shared>> -> memref<624x128xf32, #tpu.memory_space<vmem_shared>>
      tpu.wait_dma2 semaphore(%run_scoped3A_101 : memref<!tpu.dma_semaphore, #tpu.memory_space<semaphore_mem>>) src(%dma_wait3A_111 : memref<624x128xf32, #tpu.memory_space<vmem_shared>>) dst(%dma_wait3A_109 : memref<624x128xf32, #tpu.memory_space<hbm>>)
      tpu.yield
    }) : () -> ()
    %eq3A_96 = arith.constant 0 : i32
    %eq3A_97 = arith.cmpi eq, %arg1, %eq3A_96 : i32
    %convert_element_type3A_98 = arith.extui %eq3A_97 : i1 to i32
    %cond3A_99 = arith.constant 0 : i32
    %cond3A_100 = arith.cmpi ne, %convert_element_type3A_98, %cond3A_99 : i32
    scf.if %cond3A_100 {
      "tpu.region"() ({
        %run_scoped3A_101 = tpu.sem_alloc : memref<!tpu.dma_semaphore, #tpu.memory_space<semaphore_mem>>
        %dma_start3A_102 = arith.constant 9984 : i32
        %dma_start3A_103 = arith.constant 0 : i32
        %dma_start3A_104 = tpu.memref_slice %arg7[%arg0, %dma_start3A_102, %dma_start3A_103] : memref<2x10000x128xf32, #tpu.memory_space<hbm>> -> memref<1x16x128xf32, #tpu.memory_space<hbm>>
        %dma_start3A_105 = tpu.memref_squeeze %dma_start3A_104 : memref<1x16x128xf32, #tpu.memory_space<hbm>> -> memref<16x128xf32, #tpu.memory_space<hbm>>
        %dma_start3A_106 = arith.constant 9984 : i32
        %dma_start3A_107 = arith.constant 0 : i32
        %dma_start3A_108 = tpu.memref_slice %arg16[%dma_start3A_106, %dma_start3A_107] : memref<10000x128xf32, #tpu.memory_space<vmem_shared>> -> memref<16x128xf32, #tpu.memory_space<vmem_shared>>
        tpu.enqueue_dma source(%dma_start3A_108 : memref<16x128xf32, #tpu.memory_space<vmem_shared>>) target(%dma_start3A_105 : memref<16x128xf32, #tpu.memory_space<hbm>>) target_semaphore(%run_scoped3A_101 : memref<!tpu.dma_semaphore, #tpu.memory_space<semaphore_mem>>)
        %dma_wait3A_109 = arith.constant 9984 : i32
        %dma_wait3A_110 = arith.constant 0 : i32
        %dma_wait3A_111 = tpu.memref_slice %arg7[%arg0, %dma_wait3A_109, %dma_wait3A_110] : memref<2x10000x128xf32, #tpu.memory_space<hbm>> -> memref<1x16x128xf32, #tpu.memory_space<hbm>>
        %dma_wait3A_112 = tpu.memref_squeeze %dma_wait3A_111 : memref<1x16x128xf32, #tpu.memory_space<hbm>> -> memref<16x128xf32, #tpu.memory_space<hbm>>
        %dma_wait3A_113 = arith.constant 9984 : i32
        %dma_wait3A_114 = arith.constant 0 : i32
        %dma_wait3A_115 = tpu.memref_slice %arg16[%dma_wait3A_113, %dma_wait3A_114] : memref<10000x128xf32, #tpu.memory_space<vmem_shared>> -> memref<16x128xf32, #tpu.memory_space<vmem_shared>>
        tpu.wait_dma2 semaphore(%run_scoped3A_101 : memref<!tpu.dma_semaphore, #tpu.memory_space<semaphore_mem>>) src(%dma_wait3A_115 : memref<16x128xf32, #tpu.memory_space<vmem_shared>>) dst(%dma_wait3A_112 : memref<16x128xf32, #tpu.memory_space<hbm>>)
        tpu.yield
      }) : () -> ()
    } else {
    }
    return
  }
}

module attributes {stable_mosaic.version = 14 : i64} {
  func.func @_add_body(%arg0: i32, %arg1: memref<2x1000x128xf32, #tpu.memory_space<vmem>>, %arg2: memref<1000x128xf32, #tpu.memory_space<vmem>>) attributes {dimension_semantics = [#tpu.dimension_semantics<arbitrary>], iteration_bounds = array<i64: 10>, scalar_prefetch = 0 : i64, scratch_operands = 0 : i64, tpu.core_type = #tpu.core_type<tc>, window_params = [{transform_indices = @transform_0, window_bounds = array<i64: 2, 1000, 128>}, {transform_indices = @transform_1, window_bounds = array<i64: 1000, 128>}]} {
    %get3A = arith.constant 0 : index
    %get3A_0 = arith.constant 0 : index
    %get3A_1 = arith.constant 0 : index
    %get3A_2 = vector.load %arg1[%get3A, %get3A_0, %get3A_1] : memref<2x1000x128xf32, #tpu.memory_space<vmem>>, vector<1x1000x128xf32>
    %get3A_3 = vector.shape_cast %get3A_2 : vector<1x1000x128xf32> to vector<1000x128xf32>
    %get3A_4 = arith.constant 1 : index
    %get3A_5 = arith.constant 0 : index
    %get3A_6 = arith.constant 0 : index
    %get3A_7 = vector.load %arg1[%get3A_4, %get3A_5, %get3A_6] : memref<2x1000x128xf32, #tpu.memory_space<vmem>>, vector<1x1000x128xf32>
    %get3A_8 = vector.shape_cast %get3A_7 : vector<1x1000x128xf32> to vector<1000x128xf32>
    %add3A = arith.addf %get3A_3, %get3A_8 : vector<1000x128xf32>
    %swap3A = arith.constant 0 : index
    %swap3A_9 = arith.constant 0 : index
    %swap3A_10 = vector.load %arg2[%swap3A, %swap3A_9] : memref<1000x128xf32, #tpu.memory_space<vmem>>, vector<1000x128xf32>
    tpu.vector_store %arg2[%swap3A, %swap3A_9], %add3A {strides = array<i32>} : memref<1000x128xf32, #tpu.memory_space<vmem>>, vector<1000x128xf32>,
    return
  }
  func.func @transform_0(%arg0: i32) -> (i32, i32, i32) {
    %c0_i32 = arith.constant 0 : i32
    %c0_i32_0 = arith.constant 0 : i32
    %c0_i32_1 = arith.constant 0 : i32
    return %c0_i32, %arg0, %c0_i32_0 : i32, i32, i32
  }
  func.func @transform_1(%arg0: i32) -> (i32, i32) {
    %c0_i32 = arith.constant 0 : i32
    %c0_i32_0 = arith.constant 0 : i32
    return %arg0, %c0_i32 : i32, i32
  }
}

</mosaic_0001>

<sc_bundles>
// kernel: kernel.4.cloned.1.call-start
scs
__scs_entry_jumppad:
0x0: {  	(pc) =	sbr.rel $0x88, $3  }
0x1: {  	(tag) =	ssettag $0x0;
	lr =	simm.s32 $0x1  }
0x2: {  	[smem:$0x3F9E] =	sst lr;
	_ =	strace $0xD0000000  }
0x3: {  	_ = 	snop  }
0x4: {  	_ = 	snop  }
0x5: {  	_ = 	snop  }
0x6: {  	_ = 	snop  }
0x7: {  	_ = 	snop  }
__scs_overlays_trampoline_lowered:
0x8: {  	[smem:$0x3FAD] =	sst s0  }
0x9: {  	[smem:$0x3FAE] =	sst s1  }
0xa: {  	[smem:$0x3FAF] =	sst s2  }
0xb: {  	[smem:$0x3FB0] =	sst s3  }
0xc: {  	[smem:$0x3FB1] =	sst s4  }
0xd: {  	[smem:$0x3FB2] =	sst s5  }
0xe: {  	[smem:$0x3FB3] =	sst s6  }
0xf: {  	[smem:$0x3FB4] =	sst s7  }
0x10: {  	[smem:$0x3FB5] =	sst s8  }
0x11: {  	[smem:$0x3FB6] =	sst s9;
	s0 =	simm.s32 @!p0 $0x0  }
0x12: {  	s1 =	sld [smem:$0x3F9C];
	s0 =	simm.s32 @p0 $0x1  }
0x13: {  	[smem:$0x3FB7] =	sst s0;
	s0 =	simm.s32 @!p1 $0x0  }
0x14: {  	s2 =	sld [smem:$0x3F9B];
	s0 =	simm.s32 @p1 $0x1  }
0x15: {  	[smem:$0x3FB8] =	sst s0;
	s0 =	simm.s32 @!p2 $0x0  }
0x16: {  	s3 =	sld [smem:$0x3FDB];
	s0 =	simm.s32 @p2 $0x1  }
0x17: {  	s4 =	simm.s32 $0x1BF5;
	[smem:$0x3FBA] =	sst s0  }
0x18: {  	s0 =	sld [smem:$0x3F9D];
	_ =	swait.ge [sflag:s4], $0x0  }
0x19: {  	s7 =	sld [smem:$0x3F9E]  }
0x1a: {  	s8 =	sadd.s32 $0xFFFFE003, lr  }
0x1b: {  	s9 =	sadd.s32 $0xFFFFFEF7, lr;
	s5 =	simm.s32 $0xFFFFFFFF;
	p2 =	slt.u32 s8, $0xFFFFF086  }
0x1c: {  	p1 =	slt.u32 s9, $0xF7A;
	s5 =	simm.s32 @!p2 $0x0  }
0x1d: {  	s5 =	simm.s32 @p1 $0x1;
	p0 =	seq.s32 s7, s2  }
0x1e: {  	s7 =	smul.u32 @!p0 $0xF7A, s2;
	p2 =	seq.s32 @!p0 s5, $0x0  }
0x1f: {  	s9 =	smul.u32 $0xF7A, s1;
	s8 =	simm.s32 @!p0 $0x1BF5;
	p2 =	por !p2, p0  }
0x20: {  	[sflag:s8] =	ssyncset.s32 @!p0 $0xFFFFF086;
	s6 =	sadd.s32 @!p0 s3, s7;
	s7 =	simm.s32 @!p0 $0x108  }
0x21: {  	s3 =	sadd.s32 s3, s9;
	s6 =	sadd.s32 @!p0 $0x88, s6;
	s7 =	simm.s32 @p2 $0x1082  }
0x22: {  	[simem:s7], [sflag:s8] =	dma.local @!p0 [hbm:s6], $0xF7A  }
0x23: {  	s9 =	sor.u32 $0xD0000000, s2;
	s6 =	simm.s32 $0x108;
	_ =	swait.ge @!p0 [sflag:s8], $0x0  }
0x24: {  	s3 =	sadd.s32 $0x88, s3;
	s6 =	simm.s32 @!p1 $0x1082;
	[sflag:s4] =	ssyncset.s32 $0xFFFFF086  }
0x25: {  	[simem:s6], [sflag:s4] =	dma.local [hbm:s3], $0xF7A  }
0x26: {  	[smem:$0x3F9E] =	sst s1;
	(tag) =	ssettag s2;
	_ =	strace s9  }
0x27: {  	s1 =	sld [smem:$0x3FAE]  }
0x28: {  	s2 =	sld [smem:$0x3FAF]  }
0x29: {  	s4 =	sld [smem:$0x3FB1]  }
0x2a: {  	p0 =	seq.s32 s5, $0x0;
	s5 =	sld [smem:$0x3FB2]  }
0x2b: {  	s6 =	sld [smem:$0x3FB3]  }
0x2c: {  	s7 =	sld [smem:$0x3FB4]  }
0x2d: {  	s3 =	simm.s32 $0x108;
	s8 =	sld [smem:$0x3FB5]  }
0x2e: {  	s3 =	simm.s32 @!p0 $0x1082;
	s9 =	sld [smem:$0x3FB6]  }
0x2f: {  	lr =	sadd.s32 s0, s3;
	s0 =	sld [smem:$0x3FAD]  }
0x30: {  	s3 =	sld [smem:$0x3FB0]  }
0x31: {  	[smem:$0x3FB9] =	sst s10  }
0x32: {  	s10 =	sld [smem:$0x3FB7];
	_ =	sdelay $0x3  }
0x33: {  	p0 =	seq.s32 s10, $0x1;
	s10 =	sld [smem:$0x3FB9];
	_ =	sdelay $0x3  }
0x34: {  	[smem:$0x3FB9] =	sst s10  }
0x35: {  	s10 =	sld [smem:$0x3FB8];
	_ =	sdelay $0x3  }
0x36: {  	p1 =	seq.s32 s10, $0x1;
	s10 =	sld [smem:$0x3FB9];
	_ =	sdelay $0x3  }
0x37: {  	[smem:$0x3FB9] =	sst s10  }
0x38: {  	s10 =	sld [smem:$0x3FBA]  }
0x39: {  	_ = 	snop;
	(pc) =	sbr.ind lr, $3  }
0x3a: {  	_ = 	snop  }
0x3b: {  	_ = 	snop  }
0x3c: {  	p2 =	seq.s32 s10, $0x1;
	s10 =	sld [smem:$0x3FB9]  }
0x3d: {  	_ =	shalt  }
0x3e: {  	_ =	shalt  }
0x3f: {  	_ =	shalt  }
0x40: {  	_ =	shalt  }
0x41: {  	_ =	shalt  }
0x42: {  	_ =	shalt  }
0x43: {  	_ =	shalt  }
0x44: {  	_ =	shalt  }
0x45: {  	_ =	shalt  }
0x46: {  	_ =	shalt  }
0x47: {  	_ =	shalt  }
0x48: {  	_ =	shalt  }
0x49: {  	_ =	shalt  }
0x4a: {  	_ =	shalt  }
0x4b: {  	_ =	shalt  }
0x4c: {  	_ =	shalt  }
0x4d: {  	_ =	shalt  }
0x4e: {  	_ =	shalt  }
0x4f: {  	_ =	shalt  }
0x50: {  	_ =	shalt  }
0x51: {  	_ =	shalt  }
0x52: {  	_ =	shalt  }
0x53: {  	_ =	shalt  }
0x54: {  	_ =	shalt  }
0x55: {  	_ =	shalt  }
0x56: {  	_ =	shalt  }
0x57: {  	_ =	shalt  }
0x58: {  	_ =	shalt  }
0x59: {  	_ =	shalt  }
0x5a: {  	_ =	shalt  }
0x5b: {  	_ =	shalt  }
0x5c: {  	_ =	shalt  }
0x5d: {  	_ =	shalt  }
0x5e: {  	_ =	shalt  }
0x5f: {  	_ =	shalt  }
0x60: {  	_ =	shalt  }
0x61: {  	_ =	shalt  }
0x62: {  	_ =	shalt  }
0x63: {  	_ =	shalt  }
0x64: {  	_ =	shalt  }
0x65: {  	_ =	shalt  }
0x66: {  	_ =	shalt  }
0x67: {  	_ =	shalt  }
0x68: {  	_ =	shalt  }
0x69: {  	_ =	shalt  }
0x6a: {  	_ =	shalt  }
0x6b: {  	_ =	shalt  }
0x6c: {  	_ =	shalt  }
0x6d: {  	_ =	shalt  }
0x6e: {  	_ =	shalt  }
0x6f: {  	_ =	shalt  }
0x70: {  	_ =	shalt  }
0x71: {  	_ =	shalt  }
0x72: {  	_ =	shalt  }
0x73: {  	_ =	shalt  }
0x74: {  	_ =	shalt  }
0x75: {  	_ =	shalt  }
0x76: {  	_ =	shalt  }
0x77: {  	_ =	shalt  }
0x78: {  	_ =	shalt  }
0x79: {  	_ =	shalt  }
0x7a: {  	_ =	shalt  }
0x7b: {  	_ =	shalt  }
0x7c: {  	_ =	shalt  }
0x7d: {  	_ =	shalt  }
0x7e: {  	_ =	shalt  }
0x7f: {  	_ =	shalt  }
0x80: {  	_ =	shalt  }
0x81: {  	_ =	shalt  }
0x82: {  	_ =	shalt  }
0x83: {  	_ =	shalt  }
0x84: {  	_ =	shalt  }
0x85: {  	_ =	shalt  }
0x86: {  	_ =	shalt  }
0x87: {  	_ =	shalt  }
.Lfunc_end0:
.L_simem_size_0:
called_computation_lowered:
.L_overlay_start_0:
0x88: {  	s2 =	sld [smem:$0x3FD9]  }
0x89: {  	s3 =	sld [smem:$0x3FFE];
	_ =	sdelay $0x1  }
0x8a: {  	s1 =	srdreg.scid  }
0x8b: {  	s0 =	sand.u32 $0x1, s1  }
0x8c: {  	s17 =	sshll.u32 s0, $0xA;
	s2 =	sadd.s32 s3, s2  }
0x8d: {  	s2 =	sadd.s32 s2, s17  }
0x8e: {  	[smem:$0x3FC5] =	sst s2  }
0x8f: {  	_ = 	snop  }
0x90: {  	s2 =	sld [smem:$0x3FC9]  }
0x91: {  	s18 =	sld [smem:$0x3FC8]  }
0x92: {  	s4 =	sld [smem:$0x3FD0];
	(tm) =	ssettm $0x1  }
0x93: {  	s5 =	sld [smem:$0x3FFB];
	_ =	sdelay $0x3  }
0x94: {  	_ =	strace s5  }
0x95: {  	s5 =	sld [smem:$0x3FFC];
	_ =	sdelay $0x3  }
0x96: {  	_ =	strace s5  }
0x97: {  	s5 =	sld [smem:$0x3FFD];
	_ =	sdelay $0x3  }
0x98: {  	_ =	strace s5  }
0x99: {  	_ =	strace $0x8FFFFFFF  }
0x9a: {  	s19 =	sld [smem:$0x3FDB];
	_ =	sdelay $0x1  }
0x9b: {  	s6 =	simm.s32 $_scs_section_size  }
0x9c: {  	s7 =	simm.s32 $_size__tile_overlayer_lowered;
	s8 =	simm.s32 $_tile_overlayer_lowered  }
0x9d: {  	s22 =	simm.s32 $0x1BFF;
	s21 =	sshll.u32 s8, $0x1;
	s5 =	sadd.s32 s6, s19  }
0x9e: {  	s9 =	simm.s32 $0x0;
	s20 =	sshll.u32 s7, $0x1;
	s7 =	sadd.s32 s21, s5  }
0x9f: {  	[timem:s9], [sflag:s22] =	dma.local [hbm:s7], s20  }
0xa0: {  	_ =	swait.ge [sflag:s22], s20  }
0xa1: {  	s6 =	ssub.s32 $0x0, s20;
	[sflag:s22] =	ssyncset.done $0x0  }
0xa2: {  	[sflag:s22] =	ssyncadd.s32 s6;
	_ =	sdelay $0x1  }
0xa3: {  	s23 =	simm.s32 $0x1B8B  }
0xa4: {  	_ =	swait.ge [sflag:s23], $0x1  }
0xa5: {  	[sflag:s23] =	ssyncset.done $0x0  }
0xa6: {  	s25 =	simm.s32 $0x1B8E;
	s24 =	sld [smem:$0x3FFE];
	[sflag:s23] =	ssyncadd.s32 $0xFFFFFFFF  }
0xa7: {  	s26 =	simm.s32 $execute0_lowered;
	[smem:$0x3FD2] =	sst s25  }
0xa8: {  	s7 =	sshll.u32 s26, $0x1;
	_ =	strace $0x80000046;
	[dreg:$0x1] =	wrdreg $0xFFFFFFFF  }
0xa9: {  	s28 =	simm.s32 $_size_execute0_lowered;
	s5 =	sadd.s32 s5, s7;
	[dreg:$0x0] =	wrdreg $0x0  }
0xaa: {  	s7 =	sshll.u32 s28, $0x1;
	[dreg:$0x2] =	wrdreg s5  }
0xab: {  	[dreg:$0x3] =	wrdreg s7  }
0xac: {  	[dreg:$0x4] =	wrdreg $0xC0  }
0xad: {  	_ =	task [dreg:s9], $0x5FFFF  }
0xae: {  	[dreg:$0x1] =	wrdreg $0xFFFFFFFF  }
0xaf: {  	[dreg:$0x0] =	wrdreg $0x60  }
0xb0: {  	[dreg:$0x2] =	wrdreg s2  }
0xb1: {  	[dreg:$0x3] =	wrdreg s18  }
0xb2: {  	[dreg:$0x4] =	wrdreg s24  }
0xb3: {  	[dreg:$0x5] =	wrdreg s4  }
0xb4: {  	[dreg:$0x6] =	wrdreg $0xA8000  }
0xb5: {  	[dreg:$0x7] =	wrdreg $0x9  }
0xb6: {  	_ =	task.clear_ibuf [dreg:s9], $0x8FFFF;
	_ =	strace $0x90000046  }
0xb7: {  	s29 =	simm.s32 $0x9;
	_ =	strace $0x80000048  }
0xb8: {  	_ =	swait.ge [sflag:s29], $0x1  }
0xb9: {  	[sflag:s29] =	ssyncadd.s32 $0xFFFFFFFF  }
0xba: {  	_ =	strace $0x90000048  }
0xbb: {  	_ =	sfence  }
0xbc: {  	s30 =	sld [smem:$0x0];
	_ =	sdelay $0x2  }
0xbd: {  	s31 =	sshll.u32 s1, $0xD;
	s1 =	sshrl.u32 s1, $0x2  }
0xbe: {  	s3 =	sand.u32 $0x4000, s31;
	s1 =	sadd.s32 s1, s30  }
0xbf: {  	s0 =	sor.u32 s3, s0;
	s1 =	sshll.u32 s1, $0x11  }
0xc0: {  	s0 =	sor.u32 s1, s0  }
0xc1: {  	s0 =	sadd.s32 $0x8F2B, s0  }
0xc2: {  	[sflag:s0] =	ssyncadd.remote.s32 $0x1  }
0xc3: {  	_ =	sfence.sel $0xFFFF  }
0xc4: {  	[dreg:$0x0] =	wrdreg $0xFFFFFFFF;
	(pc) =	sbr.abs _section_cstart, $3  }
0xc5: {  	[dreg:$0x1] =	wrdreg $0xFFFFFFFF  }
0xc6: {  	_ =	task.clear_ibuf [dreg:s9], $0x2FFFF;
	_ =	strace $0x9FFFFFFF  }
0xc7: {  	(tm) =	ssettm $0x7FFFFFFF  }
tec
execute0_lowered:
.L_overlay_start_1:
0x0: {  	(tag) =	ssettag $0x1  }
0x1: {  	s1 =	rddreg [dreg:$0x0]  }
0x2: {  	s2 =	rddreg [dreg:$0x1]  }
0x3: {  	s3 =	rddreg [dreg:$0x2]  }
0x4: {  	s0 =	rddreg [dreg:$0x3]  }
0x5: {  	s4 =	rddreg [dreg:$0x4];
	s5 =	simm.s32 $0x0  }
0x6: {  	s6 =	srdreg.scid;
	s7 =	stileid.u32;
	s29 =	simm.s32 $0x3000  }
0x7: {  	s30 =	simm.s32 $0x4400;
	s31 =	simm.s32 $0x28;
	s28 =	simm.s32 $0x6C00  }
0x8: {  	[smem:$0x7FF] =	sst s5;
	s9 =	sand.u32 $0x1, s6;
	s10 =	smul.u32 $0x4E000, s7  }
0x9: {  	s6 =	sadd.s32 $0x32000, s3;
	s11 =	sadd.s32 $0x64000, s3;
	s14 =	smul.u32 $0x13800, s7  }
0xa: {  	s15 =	sshll.u32 s7, $0x6;
	s24 =	sadd.s32 $0x138000, s4;
	p0 =	sne.s32 s7, $0x0  }
0xb: {  	_ =	strace $0x80000047;
	s8 =	ssub.s32 $0x2, s9;
	s13 =	sshll.u32 s9, $0x4  }
0xc: {  	s18 =	sor.u32 $0x1C08, s15;
	[dreg:$0x9] =	wrdreg s24;
	s21 =	smul.u32 $0x138800, s9  }
0xd: {  	s15 =	simm.s32 $0x8;
	s12 =	sshrl.u32 s8, $0x1;
	s10 =	sshrl.u32 s10, $0x2  }
0xe: {  	s13 =	sor.u32 s7, s13;
	s23 =	sshrl.u32 s14, $0x3;
	[dreg:$0x8] =	wrdreg s18  }
0xf: {  	s12 =	ssub.s32 s8, s12;
	s22 =	sadd.s32 s10, s4;
	s8 =	smul.u32 $0xC800, s13  }
0x10: {  	s10 =	sadd.s32 s0, s23;
	s26 =	smul.u32 $0x27100, s13;
	[dreg:$0x6] =	wrdreg s22  }
0x11: {  	s0 =	sadd.s32 $0x27000, s0;
	s16 =	smul.u32 $0x138800, s13;
	[dreg:$0x7] =	wrdreg s10  }
0x12: {  	s7 =	simm.s32 $0x9400;
	s24 =	sadd.s32 s14, s21;
	[dreg:$0xa] =	wrdreg s0  }
0x13: {  	s25 =	sshrl.u32 s8, $0x3;
	s23 =	sshrl.u32 s16, $0x3;
	s10 =	sadd.s32 s2, s26  }
0x14: {  	s26 =	smax.u32 s12, $0x1;
	s12 =	simm.s32 $0x5;
	s16 =	simm.s32 $0x0  }
0x15: {  	s17 =	sadd.s32 s6, s25;
	s19 =	sadd.s32 $0x100, s25;
	[dreg:$0xf] =	wrdreg s10  }
0x16: {  	s0 =	sadd.s32 s3, s25;
	s9 =	sadd.s32 s2, s23;
	[dreg:$0x13] =	wrdreg s26  }
0x17: {  	s25 =	sshrl.u32 s24, $0x3;
	s26 =	simm.s32 $0x8000;
	[dreg:$0xb] =	wrdreg s17  }
0x18: {  	[dreg:$0xc] =	wrdreg s0;
	s20 =	sadd.s32 s6, s19;
	s22 =	sadd.s32 s3, s19  }
0x19: {  	s17 =	smul.u32 $0x2710, s13;
	s9 =	sadd.s32 $0x280, s9;
	[dreg:$0xd] =	wrdreg s20  }
.Ltmp0:
0x1a: {  	s0 =	sshrl.u32 s21, $0x3;
	[dreg:$0xe] =	wrdreg s22;
	(pc) =	sbr.rel .LBB2_1-.Ltmp0, $4  }
0x1b: {  	s13 =	simm.s32 $0x4;
	[dreg:$0x10] =	wrdreg s9;
	s9 =	sadd.s32 s11, s25  }
0x1c: {  	s0 =	sadd.s32 s11, s0;
	s11 =	simm.s32 $0x3;
	s25 =	simm.s32 $0x2  }
0x1d: {  	s20 =	sadd.s32 $0x78, s17;
	[dreg:$0x11] =	wrdreg s9;
	s0 =	sadd.s32 $0x27000, s0  }
0x1e: {  	s9 =	simm.s32 $0x1;
	[dreg:$0x12] =	wrdreg s0;
	s0 =	simm.s32 $0x5800  }
.LBB2_15:
0x1f: {  	s10 =	simm.s32 $0x6  }
0x20: {  	_ =	swait.ge [sflag:s10], $0x1400  }
0x21: {  	[sflag:s10] =	ssyncset.done $0x0  }
0x22: {  	[sflag:s10] =	ssyncadd.s32 $0xFFFFEC00  }
0x23: {  	_ =	swait.ge [sflag:s10], $0x1400  }
0x24: {  	[sflag:s10] =	ssyncset.done $0x0  }
0x25: {  	[sflag:s10] =	ssyncadd.s32 $0xFFFFEC00  }
0x26: {  	[bflag:$0x0] =	sbarrier.arrive $0xFFFF  }
0x27: {  	s18 =	rddreg [dreg:$0x8]  }
0x28: {  	s23 =	rddreg [dreg:$0x11]  }
0x29: {  	s15 =	simm.s32 $0x8;
	s14 =	rddreg [dreg:$0x15]  }
0x2a: {  	[hbm:s23], [sflag:s18] =	dma.local [spmem:s14], $0x2700  }
0x2b: {  	_ =	swait.ge [sflag:s15], $0x2700  }
0x2c: {  	[sflag:s15] =	ssyncset.done $0x0;
	s10 =	rddreg [dreg:$0x12]  }
0x2d: {  	s14 =	rddreg [dreg:$0x16];
	[sflag:s15] =	ssyncadd.s32 $0xFFFFD900  }
0x2e: {  	[hbm:s10], [sflag:s18] =	dma.local @!p0 [spmem:s14], $0x100  }
0x2f: {  	s10 =	simm.s32 @!p0 $0x8  }
0x30: {  	_ =	swait.ge @!p0 [sflag:s10], $0x100  }
0x31: {  	s16 =	rddreg [dreg:$0x14]  }
0x32: {  	s24 =	rddreg [dreg:$0x13];
	s16 =	sadd.s32 $0x1, s16  }
0x33: {  	p1 =	sne.s32 s16, s24  }
.Ltmp1:
0x34: {  	_ = 	snop;
	(pc) =	sbr.rel @!p1 .LBB2_16-.Ltmp1, $3  }
0x35: {  	_ =	sdelay $0x1  }
0x36: {  	[sflag:s10] =	ssyncset.done @!p0 $0x0  }
0x37: {  	[sflag:s10] =	ssyncadd.s32 @!p0 $0xFFFFFF00  }
.LBB2_1:
0x38: {  	[dreg:$0x14] =	wrdreg s16  }
0x39: {  	s10 =	rddreg [dreg:$0x6]  }
0x3a: {  	s23 =	rddreg [dreg:$0x7];
	s14 =	sshrl.u32 s10, $0x3  }
0x3b: {  	[dreg:$0x15] =	wrdreg s14  }
0x3c: {  	[spmem:s14], [sflag:s18] =	dma.local [hbm:s23], $0x2700  }
0x3d: {  	_ =	swait.ge [sflag:s15], $0x2700  }
0x3e: {  	s10 =	rddreg [dreg:$0x9]  }
0x3f: {  	[sflag:s15] =	ssyncset.done $0x0;
	s14 =	sshrl.u32 @!p0 s10, $0x3;
	s10 =	rddreg [dreg:$0xa]  }
0x40: {  	[sflag:s15] =	ssyncadd.s32 $0xFFFFD900;
	[dreg:$0x16] =	wrdreg s14  }
0x41: {  	[spmem:s14], [sflag:s18] =	dma.local @!p0 [hbm:s10], $0x100  }
0x42: {  	s10 =	simm.s32 @!p0 $0x8  }
0x43: {  	_ =	swait.ge @!p0 [sflag:s10], $0x100  }
0x44: {  	[sflag:s10] =	ssyncset.done @!p0 $0x0  }
0x45: {  	s24 =	rddreg [dreg:$0xb];
	[sflag:s10] =	ssyncadd.s32 @!p0 $0xFFFFFF00  }
0x46: {  	[tilespmem:s5], [sflag:$0x8] =	stream.linear.gather [hbm4b:s24+s5], $0x500, $0x38;
	[tilespmem:$0x1E080] =	vst v63  }
0x47: {  	_ =	swait.ge [sflag:s15], $0x500  }
0x48: {  	[sflag:s15] =	ssyncset.done $0x0  }
0x49: {  	s16 =	simm.s32 $0x1800;
	s14 =	rddreg [dreg:$0xc];
	[sflag:s15] =	ssyncadd.s32 $0xFFFFFB00  }
0x4a: {  	[tilespmem:s16], [sflag:$0x8] =	stream.linear.gather [hbm4b:s14+s5], $0x500, $0x38;
	[tilespmem:$0x1E080] =	vst v63  }
0x4b: {  	_ =	swait.ge [sflag:s15], $0x500  }
0x4c: {  	[sflag:s15] =	ssyncset.done $0x0  }
0x4d: {  	s19 =	simm.s32 $0x800;
	s18 =	rddreg [dreg:$0xd];
	[sflag:s15] =	ssyncadd.s32 $0xFFFFFB00  }
0x4e: {  	[tilespmem:s19], [sflag:$0x7] =	stream.linear.gather [hbm4b:s18+s5], $0x500, $0x38;
	[tilespmem:$0x1E080] =	vst v63  }
0x4f: {  	s22 =	simm.s32 $0x2000;
	s21 =	rddreg [dreg:$0xe]  }
0x50: {  	[tilespmem:s22], [sflag:$0x7] =	stream.linear.gather [hbm4b:s21+s5], $0x500, $0x38;
	[tilespmem:$0x1E080] =	vst v63  }
0x51: {  	s23 =	rddreg [dreg:$0xf]  }
0x52: {  	[tilespmem:s29], [sflag:$0x1] =	stream.linear.gather [hbm4b:s23+s5], $0x1400, $0x38;
	[tilespmem:$0x1E080] =	vst v63  }
0x53: {  	s24 =	rddreg [dreg:$0x10]  }
0x54: {  	[tilespmem:s30], [sflag:$0x2] =	stream.linear.gather [hbm4b:s24+s5], $0x1400, $0x38;
	[tilespmem:$0x1E080] =	vst v63  }
0x55: {  	_ = 	snop  }
0x56: {  	[tilespmem:s0], [sflag:$0x3] =	stream.indirect.gather [hbm4b:s1+s31], $0x80, s5, s31, $0xb8;
	[tilespmem:$0x1E080] =	vst v63  }
0x57: {  	_ = 	snop  }
0x58: {  	[tilespmem:s26], [sflag:$0x3] =	stream.indirect.gather [hbm4b:s1+s31], $0x80, s16, s31, $0xb8;
	[tilespmem:$0x1E080] =	vst v63  }
0x59: {  	s19 =	simm.s32 $0x0;
	[bflag:$0x0] =	sbarrier.arrive $0xFFFF  }
.LBB2_2:
0x5a: {  	s23 =	sshll.u32 s19, $0x1;
	s10 =	smul.u32 $0xCD, s19  }
0x5b: {  	s14 =	sor.u32 $0x1, s23  }
0x5c: {  	s16 =	sand.u32 $0xFF, s14;
	s10 =	sshrl.u32 s10, $0xA  }
0x5d: {  	s16 =	smul.u32 $0xCD, s16;
	s10 =	sand.u32 $0x3F, s10  }
0x5e: {  	s18 =	smul.u32 $0x56, s10  }
0x5f: {  	p1 =	seq.s32 s19, $0x0;
	s16 =	sshrl.u32 s16, $0xB  }
0x60: {  	s21 =	simm.s32 @!p1 $0x6;
	s16 =	smul.u32 $0xA, s16;
	s18 =	sshrl.u32 s18, $0x8  }
0x61: {  	_ =	swait.ge @!p1 [sflag:s21], $0x1400;
	s18 =	smul.u32 $0x3, s18  }
0x62: {  	[sflag:s21] =	ssyncset.done @!p1 $0x0  }
0x63: {  	[sflag:s21] =	ssyncadd.s32 @!p1 $0xFFFFEC00;
	s14 =	ssub.s32 s14, s16;
	s10 =	ssub.s32 s10, s18  }
0x64: {  	_ =	swait.ge @!p1 [sflag:s21], $0x1400;
	s16 =	sand.u32 $0xFF, s14;
	s10 =	sand.u32 $0xFF, s10  }
0x65: {  	[sflag:s21] =	ssyncset.done @!p1 $0x0;
	s24 =	sshll.u32 s16, $0x7;
	s14 =	sshll.u32 s10, $0xB  }
0x66: {  	[sflag:s21] =	ssyncadd.s32 @!p1 $0xFFFFEC00;
	s21 =	sor.u32 s14, s24  }
0x67: {  	[tilespmem:s28], [sflag:$0x4] =	stream.indirect.gather [hbm4b:s1+s31], $0x80, s21, s31, $0xb8;
	[tilespmem:$0x1E080] =	vst v63  }
0x68: {  	s22 =	sadd.s32 $0x1800, s21  }
0x69: {  	[tilespmem:s7], [sflag:$0x4] =	stream.indirect.gather [hbm4b:s1+s31], $0x80, s22, s31, $0xb8;
	[tilespmem:$0x1E080] =	vst v63  }
0x6a: {  	_ =	swait.ge [sflag:s9], $0x1400  }
0x6b: {  	[sflag:s9] =	ssyncset.done $0x0  }
0x6c: {  	[sflag:s9] =	ssyncadd.s32 $0xFFFFEC00  }
0x6d: {  	_ =	swait.ge [sflag:s11], $0x1400  }
0x6e: {  	[sflag:s11] =	ssyncset.done $0x0  }
0x6f: {  	[sflag:s11] =	ssyncadd.s32 $0xFFFFEC00  }
0x70: {  	_ =	swait.ge [sflag:s11], $0x1400  }
0x71: {  	[sflag:s11] =	ssyncset.done $0x0  }
0x72: {  	s16 =	simm.s32 $0x5900;
	[sflag:s11] =	ssyncadd.s32 $0xFFFFEC00  }
0x73: {  	s18 =	simm.s32 $0x3100;
	v0 =	vld [tilespmem:s16+$0x80]  }
0x74: {  	v1 =	vld [tilespmem:s18+$0x80]  }
0x75: {  	v2 =	vld [tilespmem:s16+$0xFFFFFF80]  }
0x76: {  	v3 =	vld [tilespmem:s18+$0xFFFFFF80]  }
0x77: {  	v4 =	vld [tilespmem:s16+$0x0]  }
0x78: {  	v5 =	vld [tilespmem:s18+$0x0]  }
0x79: {  	v6 =	vld [tilespmem:s16+$0xFFFFFF00];
	v0 =	vmul.f32 v1, v0  }
0x7a: {  	v1 =	vld [tilespmem:s18+$0xFFFFFF00]  }
0x7b: {  	[tilespmem:s16+$0x80] =	vst v0;
	v0 =	vld [tilespmem:s16+$0x90]  }
0x7c: {  	v2 =	vmul.f32 v3, v2;
	v3 =	vld [tilespmem:s18+$0x90]  }
0x7d: {  	v7 =	vld [tilespmem:s16+$0xFFFFFF10]  }
0x7e: {  	[tilespmem:s16+$0xFFFFFF80] =	vst v2;
	v2 =	vmul.f32 v5, v4;
	v4 =	vld [tilespmem:s16+$0xFFFFFF90]  }
0x7f: {  	v5 =	vld [tilespmem:s18+$0xFFFFFF90];
	v1 =	vmul.f32 v1, v6  }
0x80: {  	[tilespmem:s16+$0x0] =	vst v2;
	v2 =	vld [tilespmem:s16+$0x10]  }
0x81: {  	v6 =	vld [tilespmem:s18+$0x10];
	[tilespmem:s16+$0xFFFFFF00] =	vst v1;
	v0 =	vmul.f32 v3, v0  }
0x82: {  	v1 =	vld [tilespmem:s18+$0xFFFFFF10]  }
0x83: {  	[tilespmem:s16+$0x90] =	vst v0;
	v0 =	vld [tilespmem:s16+$0xA0]  }
0x84: {  	v3 =	vmul.f32 v5, v4;
	v4 =	vld [tilespmem:s18+$0xA0]  }
0x85: {  	v5 =	vld [tilespmem:s16+$0xFFFFFF20]  }
0x86: {  	[tilespmem:s16+$0xFFFFFF90] =	vst v3;
	v2 =	vmul.f32 v6, v2;
	v3 =	vld [tilespmem:s16+$0xFFFFFFA0]  }
0x87: {  	v6 =	vld [tilespmem:s18+$0xFFFFFFA0];
	v1 =	vmul.f32 v1, v7  }
0x88: {  	[tilespmem:s16+$0x10] =	vst v2;
	v2 =	vld [tilespmem:s16+$0x20]  }
0x89: {  	v7 =	vld [tilespmem:s18+$0x20];
	[tilespmem:s16+$0xFFFFFF10] =	vst v1;
	v0 =	vmul.f32 v4, v0  }
0x8a: {  	v1 =	vld [tilespmem:s18+$0xFFFFFF20]  }
0x8b: {  	[tilespmem:s16+$0xA0] =	vst v0;
	v0 =	vld [tilespmem:s16+$0xB0]  }
0x8c: {  	v3 =	vmul.f32 v6, v3;
	v4 =	vld [tilespmem:s18+$0xB0]  }
0x8d: {  	v6 =	vld [tilespmem:s16+$0xFFFFFF30]  }
0x8e: {  	[tilespmem:s16+$0xFFFFFFA0] =	vst v3;
	v2 =	vmul.f32 v7, v2;
	v3 =	vld [tilespmem:s16+$0xFFFFFFB0]  }
0x8f: {  	v7 =	vld [tilespmem:s18+$0xFFFFFFB0];
	v1 =	vmul.f32 v1, v5  }
0x90: {  	[tilespmem:s16+$0x20] =	vst v2;
	v2 =	vld [tilespmem:s16+$0x30]  }
0x91: {  	v5 =	vld [tilespmem:s18+$0x30];
	[tilespmem:s16+$0xFFFFFF20] =	vst v1;
	v0 =	vmul.f32 v4, v0  }
0x92: {  	v1 =	vld [tilespmem:s18+$0xFFFFFF30]  }
0x93: {  	[tilespmem:s16+$0xB0] =	vst v0;
	v0 =	vld [tilespmem:s16+$0xC0]  }
0x94: {  	v3 =	vmul.f32 v7, v3;
	v4 =	vld [tilespmem:s18+$0xC0]  }
0x95: {  	v7 =	vld [tilespmem:s16+$0xFFFFFF40]  }
0x96: {  	[tilespmem:s16+$0xFFFFFFB0] =	vst v3;
	v2 =	vmul.f32 v5, v2;
	v3 =	vld [tilespmem:s16+$0xFFFFFFC0]  }
0x97: {  	v5 =	vld [tilespmem:s18+$0xFFFFFFC0];
	v1 =	vmul.f32 v1, v6  }
0x98: {  	[tilespmem:s16+$0x30] =	vst v2;
	v2 =	vld [tilespmem:s16+$0x40]  }
0x99: {  	v6 =	vld [tilespmem:s18+$0x40];
	[tilespmem:s16+$0xFFFFFF30] =	vst v1;
	v0 =	vmul.f32 v4, v0  }
0x9a: {  	v1 =	vld [tilespmem:s18+$0xFFFFFF40]  }
0x9b: {  	[tilespmem:s16+$0xC0] =	vst v0;
	v0 =	vld [tilespmem:s16+$0xD0]  }
0x9c: {  	v3 =	vmul.f32 v5, v3;
	v4 =	vld [tilespmem:s18+$0xD0]  }
0x9d: {  	v5 =	vld [tilespmem:s16+$0xFFFFFF50]  }
0x9e: {  	[tilespmem:s16+$0xFFFFFFC0] =	vst v3;
	v2 =	vmul.f32 v6, v2;
	v3 =	vld [tilespmem:s16+$0xFFFFFFD0]  }
0x9f: {  	v6 =	vld [tilespmem:s18+$0xFFFFFFD0];
	v1 =	vmul.f32 v1, v7  }
0xa0: {  	[tilespmem:s16+$0x40] =	vst v2;
	v2 =	vld [tilespmem:s16+$0x50]  }
0xa1: {  	v7 =	vld [tilespmem:s18+$0x50];
	[tilespmem:s16+$0xFFFFFF40] =	vst v1;
	v0 =	vmul.f32 v4, v0  }
0xa2: {  	v1 =	vld [tilespmem:s18+$0xFFFFFF50]  }
0xa3: {  	[tilespmem:s16+$0xD0] =	vst v0;
	v0 =	vld [tilespmem:s16+$0xE0]  }
0xa4: {  	v3 =	vmul.f32 v6, v3;
	v4 =	vld [tilespmem:s18+$0xE0]  }
0xa5: {  	v6 =	vld [tilespmem:s16+$0xFFFFFF60]  }
0xa6: {  	[tilespmem:s16+$0xFFFFFFD0] =	vst v3;
	v2 =	vmul.f32 v7, v2;
	v3 =	vld [tilespmem:s16+$0xFFFFFFE0]  }
0xa7: {  	v7 =	vld [tilespmem:s18+$0xFFFFFFE0];
	v1 =	vmul.f32 v1, v5  }
0xa8: {  	[tilespmem:s16+$0x50] =	vst v2;
	v2 =	vld [tilespmem:s16+$0x60]  }
0xa9: {  	v5 =	vld [tilespmem:s18+$0x60];
	[tilespmem:s16+$0xFFFFFF50] =	vst v1;
	v0 =	vmul.f32 v4, v0  }
0xaa: {  	v4 =	vld [tilespmem:s18+$0xFFFFFF60]  }
0xab: {  	v8 =	vld [tilespmem:s16+$0xF0];
	[tilespmem:s16+$0xE0] =	vst v0  }
0xac: {  	v1 =	vmul.f32 v7, v3;
	v7 =	vld [tilespmem:s18+$0xF0]  }
0xad: {  	v0 =	vld [tilespmem:s16+$0xFFFFFF70]  }
0xae: {  	[tilespmem:s16+$0xFFFFFFE0] =	vst v1;
	v2 =	vmul.f32 v5, v2;
	v1 =	vld [tilespmem:s16+$0xFFFFFFF0]  }
0xaf: {  	v3 =	vld [tilespmem:s18+$0xFFFFFFF0];
	v4 =	vmul.f32 v4, v6  }
0xb0: {  	[tilespmem:s16+$0x60] =	vst v2;
	v2 =	vld [tilespmem:s16+$0x70]  }
0xb1: {  	[tilespmem:s16+$0xFFFFFF60] =	vst v4;
	v4 =	vld [tilespmem:s18+$0x70];
	v6 =	vmul.f32 v7, v8  }
0xb2: {  	s10 =	simm.s32 $0x0;
	s24 =	simm.s32 $0x5B00;
	v5 =	vld [tilespmem:s18+$0xFFFFFF70]  }
.LBB2_3:
0xb3: {  	v7 =	vld [tilespmem:s24+$0x80];
	[tilespmem:s16+$0xF0] =	vst v6;
	s18 =	sadd.s32 $0x200, s18  }
0xb4: {  	s10 =	sadd.s32 $0x4, s10;
	v6 =	vld [tilespmem:s18+$0x80];
	v1 =	vmul.f32 v3, v1  }
0xb5: {  	p1 =	slt.u32 s10, $0x24;
	v3 =	vld [tilespmem:s18+$0xFFFFFF00]  }
0xb6: {  	v8 =	vld [tilespmem:s24+$0xFFFFFF80];
	[tilespmem:s16+$0xFFFFFFF0] =	vst v1;
	v1 =	vmul.f32 v4, v2  }
0xb7: {  	v2 =	vld [tilespmem:s18+$0xFFFFFF80];
	v0 =	vmul.f32 v5, v0  }
0xb8: {  	v4 =	vld [tilespmem:s24+$0x0];
	[tilespmem:s16+$0x70] =	vst v1  }
0xb9: {  	v1 =	vld [tilespmem:s18+$0x0];
	v5 =	vmul.f32 v6, v7;
	[tilespmem:s16+$0xFFFFFF70] =	vst v0;
	s16 =	smov.u32 s24  }
0xba: {  	v0 =	vld [tilespmem:s24+$0xFFFFFF00]  }
0xbb: {  	[tilespmem:s24+$0x80] =	vst v5;
	v5 =	vld [tilespmem:s24+$0x90]  }
0xbc: {  	v2 =	vmul.f32 v2, v8;
	v6 =	vld [tilespmem:s18+$0x90]  }
0xbd: {  	v7 =	vld [tilespmem:s24+$0xFFFFFF10]  }
0xbe: {  	[tilespmem:s24+$0xFFFFFF80] =	vst v2;
	v2 =	vld [tilespmem:s24+$0xFFFFFF90];
	v1 =	vmul.f32 v1, v4  }
0xbf: {  	v0 =	vmul.f32 v3, v0;
	v3 =	vld [tilespmem:s18+$0xFFFFFF90]  }
0xc0: {  	[tilespmem:s24+$0x0] =	vst v1;
	v1 =	vld [tilespmem:s24+$0x10]  }
0xc1: {  	[tilespmem:s24+$0xFFFFFF00] =	vst v0;
	v0 =	vld [tilespmem:s18+$0x10];
	v4 =	vmul.f32 v6, v5  }
0xc2: {  	v5 =	vld [tilespmem:s18+$0xFFFFFF10]  }
0xc3: {  	[tilespmem:s24+$0x90] =	vst v4;
	v4 =	vld [tilespmem:s24+$0xA0]  }
0xc4: {  	v2 =	vmul.f32 v3, v2;
	v3 =	vld [tilespmem:s18+$0xA0]  }
0xc5: {  	v6 =	vld [tilespmem:s24+$0xFFFFFF20]  }
0xc6: {  	[tilespmem:s24+$0xFFFFFF90] =	vst v2;
	v2 =	vld [tilespmem:s24+$0xFFFFFFA0];
	v0 =	vmul.f32 v0, v1  }
0xc7: {  	v1 =	vmul.f32 v5, v7;
	v5 =	vld [tilespmem:s18+$0xFFFFFFA0]  }
0xc8: {  	[tilespmem:s24+$0x10] =	vst v0;
	v0 =	vld [tilespmem:s24+$0x20]  }
0xc9: {  	[tilespmem:s24+$0xFFFFFF10] =	vst v1;
	v1 =	vld [tilespmem:s18+$0x20];
	v3 =	vmul.f32 v3, v4  }
0xca: {  	v4 =	vld [tilespmem:s18+$0xFFFFFF20]  }
0xcb: {  	[tilespmem:s24+$0xA0] =	vst v3;
	v3 =	vld [tilespmem:s24+$0xB0]  }
0xcc: {  	v2 =	vmul.f32 v5, v2;
	v5 =	vld [tilespmem:s18+$0xB0]  }
0xcd: {  	v7 =	vld [tilespmem:s24+$0xFFFFFF30]  }
0xce: {  	[tilespmem:s24+$0xFFFFFFA0] =	vst v2;
	v2 =	vld [tilespmem:s24+$0xFFFFFFB0];
	v0 =	vmul.f32 v1, v0  }
0xcf: {  	v1 =	vmul.f32 v4, v6;
	v4 =	vld [tilespmem:s18+$0xFFFFFFB0]  }
0xd0: {  	[tilespmem:s24+$0x20] =	vst v0;
	v0 =	vld [tilespmem:s24+$0x30]  }
0xd1: {  	[tilespmem:s24+$0xFFFFFF20] =	vst v1;
	v1 =	vld [tilespmem:s18+$0x30];
	v3 =	vmul.f32 v5, v3  }
0xd2: {  	v5 =	vld [tilespmem:s18+$0xFFFFFF30]  }
0xd3: {  	[tilespmem:s24+$0xB0] =	vst v3;
	v3 =	vld [tilespmem:s24+$0xC0]  }
0xd4: {  	v2 =	vmul.f32 v4, v2;
	v4 =	vld [tilespmem:s18+$0xC0]  }
0xd5: {  	v6 =	vld [tilespmem:s24+$0xFFFFFF40]  }
0xd6: {  	[tilespmem:s24+$0xFFFFFFB0] =	vst v2;
	v2 =	vld [tilespmem:s24+$0xFFFFFFC0];
	v0 =	vmul.f32 v1, v0  }
0xd7: {  	v1 =	vmul.f32 v5, v7;
	v5 =	vld [tilespmem:s18+$0xFFFFFFC0]  }
0xd8: {  	[tilespmem:s24+$0x30] =	vst v0;
	v0 =	vld [tilespmem:s24+$0x40]  }
0xd9: {  	[tilespmem:s24+$0xFFFFFF30] =	vst v1;
	v1 =	vld [tilespmem:s18+$0x40];
	v3 =	vmul.f32 v4, v3  }
0xda: {  	v4 =	vld [tilespmem:s18+$0xFFFFFF40]  }
0xdb: {  	[tilespmem:s24+$0xC0] =	vst v3;
	v3 =	vld [tilespmem:s24+$0xD0]  }
0xdc: {  	v2 =	vmul.f32 v5, v2;
	v5 =	vld [tilespmem:s18+$0xD0]  }
0xdd: {  	v7 =	vld [tilespmem:s24+$0xFFFFFF50]  }
0xde: {  	[tilespmem:s24+$0xFFFFFFC0] =	vst v2;
	v2 =	vld [tilespmem:s24+$0xFFFFFFD0];
	v0 =	vmul.f32 v1, v0  }
0xdf: {  	v1 =	vmul.f32 v4, v6;
	v4 =	vld [tilespmem:s18+$0xFFFFFFD0]  }
0xe0: {  	[tilespmem:s24+$0x40] =	vst v0;
	v0 =	vld [tilespmem:s24+$0x50]  }
0xe1: {  	[tilespmem:s24+$0xFFFFFF40] =	vst v1;
	v1 =	vld [tilespmem:s18+$0x50];
	v3 =	vmul.f32 v5, v3  }
0xe2: {  	v5 =	vld [tilespmem:s18+$0xFFFFFF50]  }
0xe3: {  	[tilespmem:s24+$0xD0] =	vst v3;
	v3 =	vld [tilespmem:s24+$0xE0]  }
0xe4: {  	v2 =	vmul.f32 v4, v2;
	v4 =	vld [tilespmem:s18+$0xE0]  }
0xe5: {  	v6 =	vld [tilespmem:s24+$0xFFFFFF60]  }
0xe6: {  	[tilespmem:s24+$0xFFFFFFD0] =	vst v2;
	v2 =	vld [tilespmem:s24+$0xFFFFFFE0];
	v0 =	vmul.f32 v1, v0  }
0xe7: {  	v1 =	vmul.f32 v5, v7;
	v5 =	vld [tilespmem:s18+$0xFFFFFFE0]  }
0xe8: {  	[tilespmem:s24+$0x50] =	vst v0;
	v7 =	vld [tilespmem:s24+$0x60]  }
0xe9: {  	[tilespmem:s24+$0xFFFFFF50] =	vst v1;
	v8 =	vld [tilespmem:s18+$0x60];
	v0 =	vmul.f32 v4, v3  }
0xea: {  	v3 =	vld [tilespmem:s18+$0xFFFFFF60]  }
0xeb: {  	[tilespmem:s24+$0xE0] =	vst v0;
	v9 =	vld [tilespmem:s24+$0xF0]  }
0xec: {  	v1 =	vmul.f32 v5, v2;
	v5 =	vld [tilespmem:s18+$0xF0]  }
0xed: {  	v0 =	vld [tilespmem:s24+$0xFFFFFF70]  }
.Ltmp2:
0xee: {  	[tilespmem:s24+$0xFFFFFFE0] =	vst v1;
	v1 =	vld [tilespmem:s24+$0xFFFFFFF0];
	v2 =	vmul.f32 v8, v7;
	(pc) =	sbr.rel @p1 .LBB2_3-.Ltmp2, $4  }
0xef: {  	v4 =	vmul.f32 v3, v6;
	v3 =	vld [tilespmem:s18+$0xFFFFFFF0]  }
0xf0: {  	[tilespmem:s24+$0x60] =	vst v2;
	v2 =	vld [tilespmem:s24+$0x70]  }
0xf1: {  	[tilespmem:s24+$0xFFFFFF60] =	vst v4;
	v4 =	vld [tilespmem:s18+$0x70];
	v6 =	vmul.f32 v5, v9  }
0xf2: {  	s24 =	sadd.s32 $0x200, s24;
	v5 =	vld [tilespmem:s18+$0xFFFFFF70]  }
0xf3: {  	s10 =	smul.u32 $0xCD, s23;
	_ =	sdelay $0x1  }
0xf4: {  	s10 =	sshrl.u32 s10, $0xB  }
0xf5: {  	s10 =	sand.u32 $0x1F, s10  }
0xf6: {  	s10 =	smul.u32 $0xA, s10;
	_ =	sdelay $0x1  }
0xf7: {  	v1 =	vmul.f32 v3, v1;
	s10 =	ssub.s32 s23, s10  }
0xf8: {  	[tilespmem:s16+$0xF0] =	vst v6;
	v2 =	vmul.f32 v4, v2;
	s10 =	sand.u32 $0xFF, s10  }
0xf9: {  	[tilespmem:s16+$0xFFFFFFF0] =	vst v1;
	v0 =	vmul.f32 v5, v0;
	s10 =	sshll.u32 s10, $0x7  }
0xfa: {  	[tilespmem:s16+$0x70] =	vst v2;
	s14 =	sor.u32 s10, s14  }
0xfb: {  	[tilespmem:s16+$0xFFFFFF70] =	vst v0;
	s16 =	simm.s32 $0x8100;
	s10 =	sadd.s32 $0x1800, s14  }
0xfc: {  	[spmem:s4] =	stream.indirect.scatter.add.f32 [tilespmem:s0], [sflag:$0x5], $0x80, s10, s31, $0xb8;
	[tilespmem:$0x1E080] =	vst v63  }
0xfd: {  	s18 =	simm.s32 $0x3100;
	v0 =	vld [tilespmem:s16+$0x80]  }
0xfe: {  	v1 =	vld [tilespmem:s18+$0x80]  }
0xff: {  	v2 =	vld [tilespmem:s16+$0xFFFFFF80]  }
0x100: {  	v3 =	vld [tilespmem:s18+$0xFFFFFF80]  }
0x101: {  	v4 =	vld [tilespmem:s16+$0x0]  }
0x102: {  	v5 =	vld [tilespmem:s18+$0x0]  }
0x103: {  	v6 =	vld [tilespmem:s16+$0xFFFFFF00];
	v0 =	vmul.f32 v1, v0  }
0x104: {  	v1 =	vld [tilespmem:s18+$0xFFFFFF00]  }
0x105: {  	[tilespmem:s16+$0x80] =	vst v0;
	v0 =	vld [tilespmem:s16+$0x90]  }
0x106: {  	v2 =	vmul.f32 v3, v2;
	v3 =	vld [tilespmem:s18+$0x90]  }
0x107: {  	v7 =	vld [tilespmem:s16+$0xFFFFFF10]  }
0x108: {  	[tilespmem:s16+$0xFFFFFF80] =	vst v2;
	v2 =	vmul.f32 v5, v4;
	v4 =	vld [tilespmem:s16+$0xFFFFFF90]  }
0x109: {  	v5 =	vld [tilespmem:s18+$0xFFFFFF90];
	v1 =	vmul.f32 v1, v6  }
0x10a: {  	[tilespmem:s16+$0x0] =	vst v2;
	v2 =	vld [tilespmem:s16+$0x10]  }
0x10b: {  	v6 =	vld [tilespmem:s18+$0x10];
	[tilespmem:s16+$0xFFFFFF00] =	vst v1;
	v0 =	vmul.f32 v3, v0  }
0x10c: {  	v1 =	vld [tilespmem:s18+$0xFFFFFF10]  }
0x10d: {  	[tilespmem:s16+$0x90] =	vst v0;
	v0 =	vld [tilespmem:s16+$0xA0]  }
0x10e: {  	v3 =	vmul.f32 v5, v4;
	v4 =	vld [tilespmem:s18+$0xA0]  }
0x10f: {  	v5 =	vld [tilespmem:s16+$0xFFFFFF20]  }
0x110: {  	[tilespmem:s16+$0xFFFFFF90] =	vst v3;
	v2 =	vmul.f32 v6, v2;
	v3 =	vld [tilespmem:s16+$0xFFFFFFA0]  }
0x111: {  	v6 =	vld [tilespmem:s18+$0xFFFFFFA0];
	v1 =	vmul.f32 v1, v7  }
0x112: {  	[tilespmem:s16+$0x10] =	vst v2;
	v2 =	vld [tilespmem:s16+$0x20]  }
0x113: {  	v7 =	vld [tilespmem:s18+$0x20];
	[tilespmem:s16+$0xFFFFFF10] =	vst v1;
	v0 =	vmul.f32 v4, v0  }
0x114: {  	v1 =	vld [tilespmem:s18+$0xFFFFFF20]  }
0x115: {  	[tilespmem:s16+$0xA0] =	vst v0;
	v0 =	vld [tilespmem:s16+$0xB0]  }
0x116: {  	v3 =	vmul.f32 v6, v3;
	v4 =	vld [tilespmem:s18+$0xB0]  }
0x117: {  	v6 =	vld [tilespmem:s16+$0xFFFFFF30]  }
0x118: {  	[tilespmem:s16+$0xFFFFFFA0] =	vst v3;
	v2 =	vmul.f32 v7, v2;
	v3 =	vld [tilespmem:s16+$0xFFFFFFB0]  }
0x119: {  	v7 =	vld [tilespmem:s18+$0xFFFFFFB0];
	v1 =	vmul.f32 v1, v5  }
0x11a: {  	[tilespmem:s16+$0x20] =	vst v2;
	v2 =	vld [tilespmem:s16+$0x30]  }
0x11b: {  	v5 =	vld [tilespmem:s18+$0x30];
	[tilespmem:s16+$0xFFFFFF20] =	vst v1;
	v0 =	vmul.f32 v4, v0  }
0x11c: {  	v1 =	vld [tilespmem:s18+$0xFFFFFF30]  }
0x11d: {  	[tilespmem:s16+$0xB0] =	vst v0;
	v0 =	vld [tilespmem:s16+$0xC0]  }
0x11e: {  	v3 =	vmul.f32 v7, v3;
	v4 =	vld [tilespmem:s18+$0xC0]  }
0x11f: {  	v7 =	vld [tilespmem:s16+$0xFFFFFF40]  }
0x120: {  	[tilespmem:s16+$0xFFFFFFB0] =	vst v3;
	v2 =	vmul.f32 v5, v2;
	v3 =	vld [tilespmem:s16+$0xFFFFFFC0]  }
0x121: {  	v5 =	vld [tilespmem:s18+$0xFFFFFFC0];
	v1 =	vmul.f32 v1, v6  }
0x122: {  	[tilespmem:s16+$0x30] =	vst v2;
	v2 =	vld [tilespmem:s16+$0x40]  }
0x123: {  	v6 =	vld [tilespmem:s18+$0x40];
	[tilespmem:s16+$0xFFFFFF30] =	vst v1;
	v0 =	vmul.f32 v4, v0  }
0x124: {  	v1 =	vld [tilespmem:s18+$0xFFFFFF40]  }
0x125: {  	[tilespmem:s16+$0xC0] =	vst v0;
	v0 =	vld [tilespmem:s16+$0xD0]  }
0x126: {  	v3 =	vmul.f32 v5, v3;
	v4 =	vld [tilespmem:s18+$0xD0]  }
0x127: {  	v5 =	vld [tilespmem:s16+$0xFFFFFF50]  }
0x128: {  	[tilespmem:s16+$0xFFFFFFC0] =	vst v3;
	v2 =	vmul.f32 v6, v2;
	v3 =	vld [tilespmem:s16+$0xFFFFFFD0]  }
0x129: {  	v6 =	vld [tilespmem:s18+$0xFFFFFFD0];
	v1 =	vmul.f32 v1, v7  }
0x12a: {  	[tilespmem:s16+$0x40] =	vst v2;
	v2 =	vld [tilespmem:s16+$0x50]  }
0x12b: {  	v7 =	vld [tilespmem:s18+$0x50];
	[tilespmem:s16+$0xFFFFFF40] =	vst v1;
	v0 =	vmul.f32 v4, v0  }
0x12c: {  	v1 =	vld [tilespmem:s18+$0xFFFFFF50]  }
0x12d: {  	[tilespmem:s16+$0xD0] =	vst v0;
	v0 =	vld [tilespmem:s16+$0xE0]  }
0x12e: {  	v3 =	vmul.f32 v6, v3;
	v4 =	vld [tilespmem:s18+$0xE0]  }
0x12f: {  	v6 =	vld [tilespmem:s16+$0xFFFFFF60]  }
0x130: {  	[tilespmem:s16+$0xFFFFFFD0] =	vst v3;
	v2 =	vmul.f32 v7, v2;
	v3 =	vld [tilespmem:s16+$0xFFFFFFE0]  }
0x131: {  	v7 =	vld [tilespmem:s18+$0xFFFFFFE0];
	v1 =	vmul.f32 v1, v5  }
0x132: {  	[tilespmem:s16+$0x50] =	vst v2;
	v2 =	vld [tilespmem:s16+$0x60]  }
0x133: {  	v5 =	vld [tilespmem:s18+$0x60];
	[tilespmem:s16+$0xFFFFFF50] =	vst v1;
	v0 =	vmul.f32 v4, v0  }
0x134: {  	v4 =	vld [tilespmem:s18+$0xFFFFFF60]  }
0x135: {  	v8 =	vld [tilespmem:s16+$0xF0];
	[tilespmem:s16+$0xE0] =	vst v0  }
0x136: {  	v1 =	vmul.f32 v7, v3;
	v7 =	vld [tilespmem:s18+$0xF0]  }
0x137: {  	v0 =	vld [tilespmem:s16+$0xFFFFFF70]  }
0x138: {  	[tilespmem:s16+$0xFFFFFFE0] =	vst v1;
	v2 =	vmul.f32 v5, v2;
	v1 =	vld [tilespmem:s16+$0xFFFFFFF0]  }
0x139: {  	v3 =	vld [tilespmem:s18+$0xFFFFFFF0];
	v4 =	vmul.f32 v4, v6  }
0x13a: {  	[tilespmem:s16+$0x60] =	vst v2;
	v2 =	vld [tilespmem:s16+$0x70]  }
0x13b: {  	[tilespmem:s16+$0xFFFFFF60] =	vst v4;
	v4 =	vld [tilespmem:s18+$0x70];
	v6 =	vmul.f32 v7, v8  }
0x13c: {  	s24 =	simm.s32 $0x8300;
	s10 =	simm.s32 $0x0;
	v5 =	vld [tilespmem:s18+$0xFFFFFF70]  }
.LBB2_5:
0x13d: {  	v7 =	vld [tilespmem:s24+$0x80];
	[tilespmem:s16+$0xF0] =	vst v6;
	s18 =	sadd.s32 $0x200, s18  }
0x13e: {  	s10 =	sadd.s32 $0x4, s10;
	v6 =	vld [tilespmem:s18+$0x80];
	v1 =	vmul.f32 v3, v1  }
0x13f: {  	p1 =	slt.u32 s10, $0x24;
	v3 =	vld [tilespmem:s18+$0xFFFFFF00]  }
0x140: {  	v8 =	vld [tilespmem:s24+$0xFFFFFF80];
	[tilespmem:s16+$0xFFFFFFF0] =	vst v1;
	v1 =	vmul.f32 v4, v2  }
0x141: {  	v2 =	vld [tilespmem:s18+$0xFFFFFF80];
	v0 =	vmul.f32 v5, v0  }
0x142: {  	v4 =	vld [tilespmem:s24+$0x0];
	[tilespmem:s16+$0x70] =	vst v1  }
0x143: {  	v1 =	vld [tilespmem:s18+$0x0];
	v5 =	vmul.f32 v6, v7;
	[tilespmem:s16+$0xFFFFFF70] =	vst v0;
	s16 =	smov.u32 s24  }
0x144: {  	v0 =	vld [tilespmem:s24+$0xFFFFFF00]  }
0x145: {  	[tilespmem:s24+$0x80] =	vst v5;
	v5 =	vld [tilespmem:s24+$0x90]  }
0x146: {  	v2 =	vmul.f32 v2, v8;
	v6 =	vld [tilespmem:s18+$0x90]  }
0x147: {  	v7 =	vld [tilespmem:s24+$0xFFFFFF10]  }
0x148: {  	[tilespmem:s24+$0xFFFFFF80] =	vst v2;
	v2 =	vld [tilespmem:s24+$0xFFFFFF90];
	v1 =	vmul.f32 v1, v4  }
0x149: {  	v0 =	vmul.f32 v3, v0;
	v3 =	vld [tilespmem:s18+$0xFFFFFF90]  }
0x14a: {  	[tilespmem:s24+$0x0] =	vst v1;
	v1 =	vld [tilespmem:s24+$0x10]  }
0x14b: {  	[tilespmem:s24+$0xFFFFFF00] =	vst v0;
	v0 =	vld [tilespmem:s18+$0x10];
	v4 =	vmul.f32 v6, v5  }
0x14c: {  	v5 =	vld [tilespmem:s18+$0xFFFFFF10]  }
0x14d: {  	[tilespmem:s24+$0x90] =	vst v4;
	v4 =	vld [tilespmem:s24+$0xA0]  }
0x14e: {  	v2 =	vmul.f32 v3, v2;
	v3 =	vld [tilespmem:s18+$0xA0]  }
0x14f: {  	v6 =	vld [tilespmem:s24+$0xFFFFFF20]  }
0x150: {  	[tilespmem:s24+$0xFFFFFF90] =	vst v2;
	v2 =	vld [tilespmem:s24+$0xFFFFFFA0];
	v0 =	vmul.f32 v0, v1  }
0x151: {  	v1 =	vmul.f32 v5, v7;
	v5 =	vld [tilespmem:s18+$0xFFFFFFA0]  }
0x152: {  	[tilespmem:s24+$0x10] =	vst v0;
	v0 =	vld [tilespmem:s24+$0x20]  }
0x153: {  	[tilespmem:s24+$0xFFFFFF10] =	vst v1;
	v1 =	vld [tilespmem:s18+$0x20];
	v3 =	vmul.f32 v3, v4  }
0x154: {  	v4 =	vld [tilespmem:s18+$0xFFFFFF20]  }
0x155: {  	[tilespmem:s24+$0xA0] =	vst v3;
	v3 =	vld [tilespmem:s24+$0xB0]  }
0x156: {  	v2 =	vmul.f32 v5, v2;
	v5 =	vld [tilespmem:s18+$0xB0]  }
0x157: {  	v7 =	vld [tilespmem:s24+$0xFFFFFF30]  }
0x158: {  	[tilespmem:s24+$0xFFFFFFA0] =	vst v2;
	v2 =	vld [tilespmem:s24+$0xFFFFFFB0];
	v0 =	vmul.f32 v1, v0  }
0x159: {  	v1 =	vmul.f32 v4, v6;
	v4 =	vld [tilespmem:s18+$0xFFFFFFB0]  }
0x15a: {  	[tilespmem:s24+$0x20] =	vst v0;
	v0 =	vld [tilespmem:s24+$0x30]  }
0x15b: {  	[tilespmem:s24+$0xFFFFFF20] =	vst v1;
	v1 =	vld [tilespmem:s18+$0x30];
	v3 =	vmul.f32 v5, v3  }
0x15c: {  	v5 =	vld [tilespmem:s18+$0xFFFFFF30]  }
0x15d: {  	[tilespmem:s24+$0xB0] =	vst v3;
	v3 =	vld [tilespmem:s24+$0xC0]  }
0x15e: {  	v2 =	vmul.f32 v4, v2;
	v4 =	vld [tilespmem:s18+$0xC0]  }
0x15f: {  	v6 =	vld [tilespmem:s24+$0xFFFFFF40]  }
0x160: {  	[tilespmem:s24+$0xFFFFFFB0] =	vst v2;
	v2 =	vld [tilespmem:s24+$0xFFFFFFC0];
	v0 =	vmul.f32 v1, v0  }
0x161: {  	v1 =	vmul.f32 v5, v7;
	v5 =	vld [tilespmem:s18+$0xFFFFFFC0]  }
0x162: {  	[tilespmem:s24+$0x30] =	vst v0;
	v0 =	vld [tilespmem:s24+$0x40]  }
0x163: {  	[tilespmem:s24+$0xFFFFFF30] =	vst v1;
	v1 =	vld [tilespmem:s18+$0x40];
	v3 =	vmul.f32 v4, v3  }
0x164: {  	v4 =	vld [tilespmem:s18+$0xFFFFFF40]  }
0x165: {  	[tilespmem:s24+$0xC0] =	vst v3;
	v3 =	vld [tilespmem:s24+$0xD0]  }
0x166: {  	v2 =	vmul.f32 v5, v2;
	v5 =	vld [tilespmem:s18+$0xD0]  }
0x167: {  	v7 =	vld [tilespmem:s24+$0xFFFFFF50]  }
0x168: {  	[tilespmem:s24+$0xFFFFFFC0] =	vst v2;
	v2 =	vld [tilespmem:s24+$0xFFFFFFD0];
	v0 =	vmul.f32 v1, v0  }
0x169: {  	v1 =	vmul.f32 v4, v6;
	v4 =	vld [tilespmem:s18+$0xFFFFFFD0]  }
0x16a: {  	[tilespmem:s24+$0x40] =	vst v0;
	v0 =	vld [tilespmem:s24+$0x50]  }
0x16b: {  	[tilespmem:s24+$0xFFFFFF40] =	vst v1;
	v1 =	vld [tilespmem:s18+$0x50];
	v3 =	vmul.f32 v5, v3  }
0x16c: {  	v5 =	vld [tilespmem:s18+$0xFFFFFF50]  }
0x16d: {  	[tilespmem:s24+$0xD0] =	vst v3;
	v3 =	vld [tilespmem:s24+$0xE0]  }
0x16e: {  	v2 =	vmul.f32 v4, v2;
	v4 =	vld [tilespmem:s18+$0xE0]  }
0x16f: {  	v6 =	vld [tilespmem:s24+$0xFFFFFF60]  }
0x170: {  	[tilespmem:s24+$0xFFFFFFD0] =	vst v2;
	v2 =	vld [tilespmem:s24+$0xFFFFFFE0];
	v0 =	vmul.f32 v1, v0  }
0x171: {  	v1 =	vmul.f32 v5, v7;
	v5 =	vld [tilespmem:s18+$0xFFFFFFE0]  }
0x172: {  	[tilespmem:s24+$0x50] =	vst v0;
	v7 =	vld [tilespmem:s24+$0x60]  }
0x173: {  	[tilespmem:s24+$0xFFFFFF50] =	vst v1;
	v8 =	vld [tilespmem:s18+$0x60];
	v0 =	vmul.f32 v4, v3  }
0x174: {  	v3 =	vld [tilespmem:s18+$0xFFFFFF60]  }
0x175: {  	[tilespmem:s24+$0xE0] =	vst v0;
	v9 =	vld [tilespmem:s24+$0xF0]  }
0x176: {  	v1 =	vmul.f32 v5, v2;
	v5 =	vld [tilespmem:s18+$0xF0]  }
0x177: {  	v0 =	vld [tilespmem:s24+$0xFFFFFF70]  }
.Ltmp3:
0x178: {  	[tilespmem:s24+$0xFFFFFFE0] =	vst v1;
	v1 =	vld [tilespmem:s24+$0xFFFFFFF0];
	v2 =	vmul.f32 v8, v7;
	(pc) =	sbr.rel @p1 .LBB2_5-.Ltmp3, $4  }
0x179: {  	v4 =	vmul.f32 v3, v6;
	v3 =	vld [tilespmem:s18+$0xFFFFFFF0]  }
0x17a: {  	[tilespmem:s24+$0x60] =	vst v2;
	v2 =	vld [tilespmem:s24+$0x70]  }
0x17b: {  	[tilespmem:s24+$0xFFFFFF60] =	vst v4;
	v4 =	vld [tilespmem:s18+$0x70];
	v6 =	vmul.f32 v5, v9  }
0x17c: {  	s24 =	sadd.s32 $0x200, s24;
	v5 =	vld [tilespmem:s18+$0xFFFFFF70]  }
0x17d: {  	_ =	sdelay $0x1  }
0x17e: {  	p1 =	seq.s32 s19, $0x7C;
	v1 =	vmul.f32 v3, v1  }
.Ltmp4:
0x17f: {  	[tilespmem:s16+$0xF0] =	vst v6;
	v2 =	vmul.f32 v4, v2;
	(pc) =	sbr.rel @!p1 .LBB2_7-.Ltmp4, $4  }
0x180: {  	[tilespmem:s16+$0xFFFFFFF0] =	vst v1;
	v0 =	vmul.f32 v5, v0  }
0x181: {  	[tilespmem:s16+$0x70] =	vst v2  }
0x182: {  	[tilespmem:s16+$0xFFFFFF70] =	vst v0  }
0x183: {  	[spmem:s4] =	stream.indirect.scatter.add.f32 [tilespmem:s26], [sflag:$0x5], $0x80, s14, s31, $0xb8;
	[tilespmem:$0x1E080] =	vst v63  }
0x184: {  	_ =	swait.ge [sflag:s12], $0x1400  }
.Ltmp5:
0x185: {  	[sflag:s12] =	ssyncset.done $0x0;
	(pc) =	sbr.rel .LBB2_9-.Ltmp5, $4  }
0x186: {  	[sflag:s12] =	ssyncadd.s32 $0xFFFFEC00  }
0x187: {  	_ =	swait.ge [sflag:s12], $0x1400  }
0x188: {  	[sflag:s12] =	ssyncset.done $0x0  }
0x189: {  	[sflag:s12] =	ssyncadd.s32 $0xFFFFEC00  }
.LBB2_7:
0x18a: {  	s10 =	sadd.s32 $0x2, s23  }
0x18b: {  	s14 =	smul.u32 $0x28, s10;
	_ =	sdelay $0x1  }
0x18c: {  	s14 =	sadd.s32 s17, s14  }
0x18d: {  	s14 =	sshll.u32 s14, $0x4  }
0x18e: {  	s16 =	smulhi.u32 $0x66666667, s10;
	s14 =	sadd.s32 s2, s14  }
0x18f: {  	[tilespmem:s29], [sflag:$0x1] =	stream.linear.gather [hbm4b:s14+s5], $0x1400, $0x38;
	[tilespmem:$0x1E080] =	vst v63  }
0x190: {  	s14 =	sshrl.u32 s16, $0x2  }
0x191: {  	s16 =	smul.u32 $0xA, s14  }
0x192: {  	_ =	swait.ge [sflag:s12], $0x1400  }
0x193: {  	[sflag:s12] =	ssyncset.done $0x0;
	s10 =	ssub.s32 s10, s16  }
0x194: {  	[sflag:s12] =	ssyncadd.s32 $0xFFFFEC00;
	p3 =	sne.s32 s10, $0x0  }
0x195: {  	_ =	swait.ge [sflag:s12], $0x1400;
	p2 =	sgt.u32 @!p3 s19, $0x76  }
0x196: {  	s15 =	smulhi.u32 $0x55555556, s14;
	[sflag:s12] =	ssyncset.done $0x0;
	p2 =	por p2, p3  }
0x197: {  	s16 =	simm.s32 @!p3 $0x7;
	[sflag:s12] =	ssyncadd.s32 $0xFFFFEC00;
	s18 =	sadd.s32 @!p2 $0x1, s14  }
0x198: {  	_ =	swait.ge @!p3 [sflag:s16], $0x500;
	s23 =	smulhi.u32 @!p2 $0x55555556, s18  }
0x199: {  	s15 =	smul.u32 $0x3, s15;
	[sflag:s16] =	ssyncset.done @!p3 $0x0  }
0x19a: {  	[sflag:s16] =	ssyncadd.s32 @!p3 $0xFFFFFB00;
	s23 =	smul.u32 @!p2 $0x3, s23  }
0x19b: {  	s10 =	sshll.u32 s10, $0x7;
	s24 =	sshll.u32 @!p2 s18, $0xB;
	_ =	swait.ge @!p3 [sflag:s16], $0x500  }
0x19c: {  	s24 =	sadd.s32 @!p2 s8, s24;
	[sflag:s16] =	ssyncset.done @!p3 $0x0;
	s18 =	ssub.s32 @!p2 s18, s23  }
0x19d: {  	[sflag:s16] =	ssyncadd.s32 @!p3 $0xFFFFFB00;
	s16 =	sshll.u32 @!p2 s18, $0xB;
	s18 =	sshrl.u32 @!p2 s24, $0x3  }
0x19e: {  	s14 =	ssub.s32 s14, s15;
	s24 =	simm.s32 @!p2 $0x0;
	s23 =	sadd.s32 @!p2 s6, s18  }
0x19f: {  	[tilespmem:s16], [sflag:$0x7] =	stream.linear.gather @!p2 [hbm4b:s23+s24], $0x500, $0x38;
	[tilespmem:$0x1E080] =	vst v63  }
0x1a0: {  	s14 =	sshll.u32 s14, $0xB;
	s18 =	sadd.s32 @!p2 s3, s18;
	s16 =	sadd.s32 @!p2 $0x1800, s16  }
0x1a1: {  	[tilespmem:s16], [sflag:$0x7] =	stream.linear.gather @!p2 [hbm4b:s18+s24], $0x500, $0x38;
	[tilespmem:$0x1E080] =	vst v63  }
0x1a2: {  	s10 =	sor.u32 s10, s14  }
0x1a3: {  	[tilespmem:s0], [sflag:$0x3] =	stream.indirect.gather [hbm4b:s1+s31], $0x80, s10, s31, $0xb8;
	[tilespmem:$0x1E080] =	vst v63  }
0x1a4: {  	s10 =	sadd.s32 $0x1800, s10  }
0x1a5: {  	[tilespmem:s26], [sflag:$0x3] =	stream.indirect.gather [hbm4b:s1+s31], $0x80, s10, s31, $0xb8;
	[tilespmem:$0x1E080] =	vst v63  }
.LBB2_9:
0x1a6: {  	_ =	swait.ge [sflag:s25], $0x1400  }
0x1a7: {  	[sflag:s25] =	ssyncset.done $0x0  }
0x1a8: {  	[sflag:s25] =	ssyncadd.s32 $0xFFFFEC00  }
0x1a9: {  	_ =	swait.ge [sflag:s13], $0x1400  }
0x1aa: {  	[sflag:s13] =	ssyncset.done $0x0  }
0x1ab: {  	[sflag:s13] =	ssyncadd.s32 $0xFFFFEC00  }
0x1ac: {  	_ =	swait.ge [sflag:s13], $0x1400  }
0x1ad: {  	[sflag:s13] =	ssyncset.done $0x0  }
0x1ae: {  	s14 =	simm.s32 $0x6D00;
	[sflag:s13] =	ssyncadd.s32 $0xFFFFEC00  }
0x1af: {  	s16 =	simm.s32 $0x4500;
	v0 =	vld [tilespmem:s14+$0x80]  }
0x1b0: {  	v1 =	vld [tilespmem:s16+$0x80]  }
0x1b1: {  	v2 =	vld [tilespmem:s14+$0xFFFFFF80]  }
0x1b2: {  	v3 =	vld [tilespmem:s16+$0xFFFFFF80]  }
0x1b3: {  	v4 =	vld [tilespmem:s14+$0x0]  }
0x1b4: {  	v5 =	vld [tilespmem:s16+$0x0]  }
0x1b5: {  	v6 =	vld [tilespmem:s14+$0xFFFFFF00];
	v0 =	vmul.f32 v1, v0  }
0x1b6: {  	v1 =	vld [tilespmem:s16+$0xFFFFFF00]  }
0x1b7: {  	[tilespmem:s14+$0x80] =	vst v0;
	v0 =	vld [tilespmem:s14+$0x90]  }
0x1b8: {  	v2 =	vmul.f32 v3, v2;
	v3 =	vld [tilespmem:s16+$0x90]  }
0x1b9: {  	v7 =	vld [tilespmem:s14+$0xFFFFFF10]  }
0x1ba: {  	[tilespmem:s14+$0xFFFFFF80] =	vst v2;
	v2 =	vmul.f32 v5, v4;
	v4 =	vld [tilespmem:s14+$0xFFFFFF90]  }
0x1bb: {  	v5 =	vld [tilespmem:s16+$0xFFFFFF90];
	v1 =	vmul.f32 v1, v6  }
0x1bc: {  	[tilespmem:s14+$0x0] =	vst v2;
	v2 =	vld [tilespmem:s14+$0x10]  }
0x1bd: {  	v6 =	vld [tilespmem:s16+$0x10];
	[tilespmem:s14+$0xFFFFFF00] =	vst v1;
	v0 =	vmul.f32 v3, v0  }
0x1be: {  	v1 =	vld [tilespmem:s16+$0xFFFFFF10]  }
0x1bf: {  	[tilespmem:s14+$0x90] =	vst v0;
	v0 =	vld [tilespmem:s14+$0xA0]  }
0x1c0: {  	v3 =	vmul.f32 v5, v4;
	v4 =	vld [tilespmem:s16+$0xA0]  }
0x1c1: {  	v5 =	vld [tilespmem:s14+$0xFFFFFF20]  }
0x1c2: {  	[tilespmem:s14+$0xFFFFFF90] =	vst v3;
	v2 =	vmul.f32 v6, v2;
	v3 =	vld [tilespmem:s14+$0xFFFFFFA0]  }
0x1c3: {  	v6 =	vld [tilespmem:s16+$0xFFFFFFA0];
	v1 =	vmul.f32 v1, v7  }
0x1c4: {  	[tilespmem:s14+$0x10] =	vst v2;
	v2 =	vld [tilespmem:s14+$0x20]  }
0x1c5: {  	v7 =	vld [tilespmem:s16+$0x20];
	[tilespmem:s14+$0xFFFFFF10] =	vst v1;
	v0 =	vmul.f32 v4, v0  }
0x1c6: {  	v1 =	vld [tilespmem:s16+$0xFFFFFF20]  }
0x1c7: {  	[tilespmem:s14+$0xA0] =	vst v0;
	v0 =	vld [tilespmem:s14+$0xB0]  }
0x1c8: {  	v3 =	vmul.f32 v6, v3;
	v4 =	vld [tilespmem:s16+$0xB0]  }
0x1c9: {  	v6 =	vld [tilespmem:s14+$0xFFFFFF30]  }
0x1ca: {  	[tilespmem:s14+$0xFFFFFFA0] =	vst v3;
	v2 =	vmul.f32 v7, v2;
	v3 =	vld [tilespmem:s14+$0xFFFFFFB0]  }
0x1cb: {  	v7 =	vld [tilespmem:s16+$0xFFFFFFB0];
	v1 =	vmul.f32 v1, v5  }
0x1cc: {  	[tilespmem:s14+$0x20] =	vst v2;
	v2 =	vld [tilespmem:s14+$0x30]  }
0x1cd: {  	v5 =	vld [tilespmem:s16+$0x30];
	[tilespmem:s14+$0xFFFFFF20] =	vst v1;
	v0 =	vmul.f32 v4, v0  }
0x1ce: {  	v1 =	vld [tilespmem:s16+$0xFFFFFF30]  }
0x1cf: {  	[tilespmem:s14+$0xB0] =	vst v0;
	v0 =	vld [tilespmem:s14+$0xC0]  }
0x1d0: {  	v3 =	vmul.f32 v7, v3;
	v4 =	vld [tilespmem:s16+$0xC0]  }
0x1d1: {  	v7 =	vld [tilespmem:s14+$0xFFFFFF40]  }
0x1d2: {  	[tilespmem:s14+$0xFFFFFFB0] =	vst v3;
	v2 =	vmul.f32 v5, v2;
	v3 =	vld [tilespmem:s14+$0xFFFFFFC0]  }
0x1d3: {  	v5 =	vld [tilespmem:s16+$0xFFFFFFC0];
	v1 =	vmul.f32 v1, v6  }
0x1d4: {  	[tilespmem:s14+$0x30] =	vst v2;
	v2 =	vld [tilespmem:s14+$0x40]  }
0x1d5: {  	v6 =	vld [tilespmem:s16+$0x40];
	[tilespmem:s14+$0xFFFFFF30] =	vst v1;
	v0 =	vmul.f32 v4, v0  }
0x1d6: {  	v1 =	vld [tilespmem:s16+$0xFFFFFF40]  }
0x1d7: {  	[tilespmem:s14+$0xC0] =	vst v0;
	v0 =	vld [tilespmem:s14+$0xD0]  }
0x1d8: {  	v3 =	vmul.f32 v5, v3;
	v4 =	vld [tilespmem:s16+$0xD0]  }
0x1d9: {  	v5 =	vld [tilespmem:s14+$0xFFFFFF50]  }
0x1da: {  	[tilespmem:s14+$0xFFFFFFC0] =	vst v3;
	v2 =	vmul.f32 v6, v2;
	v3 =	vld [tilespmem:s14+$0xFFFFFFD0]  }
0x1db: {  	v6 =	vld [tilespmem:s16+$0xFFFFFFD0];
	v1 =	vmul.f32 v1, v7  }
0x1dc: {  	[tilespmem:s14+$0x40] =	vst v2;
	v2 =	vld [tilespmem:s14+$0x50]  }
0x1dd: {  	v7 =	vld [tilespmem:s16+$0x50];
	[tilespmem:s14+$0xFFFFFF40] =	vst v1;
	v0 =	vmul.f32 v4, v0  }
0x1de: {  	v1 =	vld [tilespmem:s16+$0xFFFFFF50]  }
0x1df: {  	[tilespmem:s14+$0xD0] =	vst v0;
	v0 =	vld [tilespmem:s14+$0xE0]  }
0x1e0: {  	v3 =	vmul.f32 v6, v3;
	v4 =	vld [tilespmem:s16+$0xE0]  }
0x1e1: {  	v6 =	vld [tilespmem:s14+$0xFFFFFF60]  }
0x1e2: {  	[tilespmem:s14+$0xFFFFFFD0] =	vst v3;
	v2 =	vmul.f32 v7, v2;
	v3 =	vld [tilespmem:s14+$0xFFFFFFE0]  }
0x1e3: {  	v7 =	vld [tilespmem:s16+$0xFFFFFFE0];
	v1 =	vmul.f32 v1, v5  }
0x1e4: {  	[tilespmem:s14+$0x50] =	vst v2;
	v2 =	vld [tilespmem:s14+$0x60]  }
0x1e5: {  	v5 =	vld [tilespmem:s16+$0x60];
	[tilespmem:s14+$0xFFFFFF50] =	vst v1;
	v0 =	vmul.f32 v4, v0  }
0x1e6: {  	v4 =	vld [tilespmem:s16+$0xFFFFFF60]  }
0x1e7: {  	v8 =	vld [tilespmem:s14+$0xF0];
	[tilespmem:s14+$0xE0] =	vst v0  }
0x1e8: {  	v1 =	vmul.f32 v7, v3;
	v7 =	vld [tilespmem:s16+$0xF0]  }
0x1e9: {  	v0 =	vld [tilespmem:s14+$0xFFFFFF70]  }
0x1ea: {  	[tilespmem:s14+$0xFFFFFFE0] =	vst v1;
	v2 =	vmul.f32 v5, v2;
	v1 =	vld [tilespmem:s14+$0xFFFFFFF0]  }
0x1eb: {  	v3 =	vld [tilespmem:s16+$0xFFFFFFF0];
	v4 =	vmul.f32 v4, v6  }
0x1ec: {  	[tilespmem:s14+$0x60] =	vst v2;
	v2 =	vld [tilespmem:s14+$0x70]  }
0x1ed: {  	[tilespmem:s14+$0xFFFFFF60] =	vst v4;
	v4 =	vld [tilespmem:s16+$0x70];
	v6 =	vmul.f32 v7, v8  }
0x1ee: {  	s10 =	simm.s32 $0x0;
	s18 =	simm.s32 $0x6F00;
	v5 =	vld [tilespmem:s16+$0xFFFFFF70]  }
.LBB2_10:
0x1ef: {  	v7 =	vld [tilespmem:s18+$0x80];
	[tilespmem:s14+$0xF0] =	vst v6;
	s16 =	sadd.s32 $0x200, s16  }
0x1f0: {  	s10 =	sadd.s32 $0x4, s10;
	v6 =	vld [tilespmem:s16+$0x80];
	v1 =	vmul.f32 v3, v1  }
0x1f1: {  	p2 =	slt.u32 s10, $0x24;
	v3 =	vld [tilespmem:s16+$0xFFFFFF00]  }
0x1f2: {  	v8 =	vld [tilespmem:s18+$0xFFFFFF80];
	[tilespmem:s14+$0xFFFFFFF0] =	vst v1;
	v1 =	vmul.f32 v4, v2  }
0x1f3: {  	v2 =	vld [tilespmem:s16+$0xFFFFFF80];
	v0 =	vmul.f32 v5, v0  }
0x1f4: {  	v4 =	vld [tilespmem:s18+$0x0];
	[tilespmem:s14+$0x70] =	vst v1  }
0x1f5: {  	v1 =	vld [tilespmem:s16+$0x0];
	v5 =	vmul.f32 v6, v7;
	[tilespmem:s14+$0xFFFFFF70] =	vst v0;
	s14 =	smov.u32 s18  }
0x1f6: {  	v0 =	vld [tilespmem:s18+$0xFFFFFF00]  }
0x1f7: {  	[tilespmem:s18+$0x80] =	vst v5;
	v5 =	vld [tilespmem:s18+$0x90]  }
0x1f8: {  	v2 =	vmul.f32 v2, v8;
	v6 =	vld [tilespmem:s16+$0x90]  }
0x1f9: {  	v7 =	vld [tilespmem:s18+$0xFFFFFF10]  }
0x1fa: {  	[tilespmem:s18+$0xFFFFFF80] =	vst v2;
	v2 =	vld [tilespmem:s18+$0xFFFFFF90];
	v1 =	vmul.f32 v1, v4  }
0x1fb: {  	v0 =	vmul.f32 v3, v0;
	v3 =	vld [tilespmem:s16+$0xFFFFFF90]  }
0x1fc: {  	[tilespmem:s18+$0x0] =	vst v1;
	v1 =	vld [tilespmem:s18+$0x10]  }
0x1fd: {  	[tilespmem:s18+$0xFFFFFF00] =	vst v0;
	v0 =	vld [tilespmem:s16+$0x10];
	v4 =	vmul.f32 v6, v5  }
0x1fe: {  	v5 =	vld [tilespmem:s16+$0xFFFFFF10]  }
0x1ff: {  	[tilespmem:s18+$0x90] =	vst v4;
	v4 =	vld [tilespmem:s18+$0xA0]  }
0x200: {  	v2 =	vmul.f32 v3, v2;
	v3 =	vld [tilespmem:s16+$0xA0]  }
0x201: {  	v6 =	vld [tilespmem:s18+$0xFFFFFF20]  }
0x202: {  	[tilespmem:s18+$0xFFFFFF90] =	vst v2;
	v2 =	vld [tilespmem:s18+$0xFFFFFFA0];
	v0 =	vmul.f32 v0, v1  }
0x203: {  	v1 =	vmul.f32 v5, v7;
	v5 =	vld [tilespmem:s16+$0xFFFFFFA0]  }
0x204: {  	[tilespmem:s18+$0x10] =	vst v0;
	v0 =	vld [tilespmem:s18+$0x20]  }
0x205: {  	[tilespmem:s18+$0xFFFFFF10] =	vst v1;
	v1 =	vld [tilespmem:s16+$0x20];
	v3 =	vmul.f32 v3, v4  }
0x206: {  	v4 =	vld [tilespmem:s16+$0xFFFFFF20]  }
0x207: {  	[tilespmem:s18+$0xA0] =	vst v3;
	v3 =	vld [tilespmem:s18+$0xB0]  }
0x208: {  	v2 =	vmul.f32 v5, v2;
	v5 =	vld [tilespmem:s16+$0xB0]  }
0x209: {  	v7 =	vld [tilespmem:s18+$0xFFFFFF30]  }
0x20a: {  	[tilespmem:s18+$0xFFFFFFA0] =	vst v2;
	v2 =	vld [tilespmem:s18+$0xFFFFFFB0];
	v0 =	vmul.f32 v1, v0  }
0x20b: {  	v1 =	vmul.f32 v4, v6;
	v4 =	vld [tilespmem:s16+$0xFFFFFFB0]  }
0x20c: {  	[tilespmem:s18+$0x20] =	vst v0;
	v0 =	vld [tilespmem:s18+$0x30]  }
0x20d: {  	[tilespmem:s18+$0xFFFFFF20] =	vst v1;
	v1 =	vld [tilespmem:s16+$0x30];
	v3 =	vmul.f32 v5, v3  }
0x20e: {  	v5 =	vld [tilespmem:s16+$0xFFFFFF30]  }
0x20f: {  	[tilespmem:s18+$0xB0] =	vst v3;
	v3 =	vld [tilespmem:s18+$0xC0]  }
0x210: {  	v2 =	vmul.f32 v4, v2;
	v4 =	vld [tilespmem:s16+$0xC0]  }
0x211: {  	v6 =	vld [tilespmem:s18+$0xFFFFFF40]  }
0x212: {  	[tilespmem:s18+$0xFFFFFFB0] =	vst v2;
	v2 =	vld [tilespmem:s18+$0xFFFFFFC0];
	v0 =	vmul.f32 v1, v0  }
0x213: {  	v1 =	vmul.f32 v5, v7;
	v5 =	vld [tilespmem:s16+$0xFFFFFFC0]  }
0x214: {  	[tilespmem:s18+$0x30] =	vst v0;
	v0 =	vld [tilespmem:s18+$0x40]  }
0x215: {  	[tilespmem:s18+$0xFFFFFF30] =	vst v1;
	v1 =	vld [tilespmem:s16+$0x40];
	v3 =	vmul.f32 v4, v3  }
0x216: {  	v4 =	vld [tilespmem:s16+$0xFFFFFF40]  }
0x217: {  	[tilespmem:s18+$0xC0] =	vst v3;
	v3 =	vld [tilespmem:s18+$0xD0]  }
0x218: {  	v2 =	vmul.f32 v5, v2;
	v5 =	vld [tilespmem:s16+$0xD0]  }
0x219: {  	v7 =	vld [tilespmem:s18+$0xFFFFFF50]  }
0x21a: {  	[tilespmem:s18+$0xFFFFFFC0] =	vst v2;
	v2 =	vld [tilespmem:s18+$0xFFFFFFD0];
	v0 =	vmul.f32 v1, v0  }
0x21b: {  	v1 =	vmul.f32 v4, v6;
	v4 =	vld [tilespmem:s16+$0xFFFFFFD0]  }
0x21c: {  	[tilespmem:s18+$0x40] =	vst v0;
	v0 =	vld [tilespmem:s18+$0x50]  }
0x21d: {  	[tilespmem:s18+$0xFFFFFF40] =	vst v1;
	v1 =	vld [tilespmem:s16+$0x50];
	v3 =	vmul.f32 v5, v3  }
0x21e: {  	v5 =	vld [tilespmem:s16+$0xFFFFFF50]  }
0x21f: {  	[tilespmem:s18+$0xD0] =	vst v3;
	v3 =	vld [tilespmem:s18+$0xE0]  }
0x220: {  	v2 =	vmul.f32 v4, v2;
	v4 =	vld [tilespmem:s16+$0xE0]  }
0x221: {  	v6 =	vld [tilespmem:s18+$0xFFFFFF60]  }
0x222: {  	[tilespmem:s18+$0xFFFFFFD0] =	vst v2;
	v2 =	vld [tilespmem:s18+$0xFFFFFFE0];
	v0 =	vmul.f32 v1, v0  }
0x223: {  	v1 =	vmul.f32 v5, v7;
	v5 =	vld [tilespmem:s16+$0xFFFFFFE0]  }
0x224: {  	[tilespmem:s18+$0x50] =	vst v0;
	v7 =	vld [tilespmem:s18+$0x60]  }
0x225: {  	[tilespmem:s18+$0xFFFFFF50] =	vst v1;
	v8 =	vld [tilespmem:s16+$0x60];
	v0 =	vmul.f32 v4, v3  }
0x226: {  	v3 =	vld [tilespmem:s16+$0xFFFFFF60]  }
0x227: {  	[tilespmem:s18+$0xE0] =	vst v0;
	v9 =	vld [tilespmem:s18+$0xF0]  }
0x228: {  	v1 =	vmul.f32 v5, v2;
	v5 =	vld [tilespmem:s16+$0xF0]  }
0x229: {  	v0 =	vld [tilespmem:s18+$0xFFFFFF70]  }
.Ltmp6:
0x22a: {  	[tilespmem:s18+$0xFFFFFFE0] =	vst v1;
	v1 =	vld [tilespmem:s18+$0xFFFFFFF0];
	v2 =	vmul.f32 v8, v7;
	(pc) =	sbr.rel @p2 .LBB2_10-.Ltmp6, $4  }
0x22b: {  	v4 =	vmul.f32 v3, v6;
	v3 =	vld [tilespmem:s16+$0xFFFFFFF0]  }
0x22c: {  	[tilespmem:s18+$0x60] =	vst v2;
	v2 =	vld [tilespmem:s18+$0x70]  }
0x22d: {  	[tilespmem:s18+$0xFFFFFF60] =	vst v4;
	v4 =	vld [tilespmem:s16+$0x70];
	v6 =	vmul.f32 v5, v9  }
0x22e: {  	s18 =	sadd.s32 $0x200, s18;
	v5 =	vld [tilespmem:s16+$0xFFFFFF70]  }
0x22f: {  	_ =	sdelay $0x1  }
0x230: {  	v1 =	vmul.f32 v3, v1  }
0x231: {  	[tilespmem:s14+$0xF0] =	vst v6;
	v2 =	vmul.f32 v4, v2  }
0x232: {  	[tilespmem:s14+$0xFFFFFFF0] =	vst v1;
	v0 =	vmul.f32 v5, v0  }
0x233: {  	[tilespmem:s14+$0x70] =	vst v2  }
0x234: {  	[tilespmem:s14+$0xFFFFFF70] =	vst v0;
	s14 =	simm.s32 $0x9500  }
0x235: {  	[spmem:s4] =	stream.indirect.scatter.add.f32 [tilespmem:s28], [sflag:$0x6], $0x80, s22, s31, $0xb8;
	[tilespmem:$0x1E080] =	vst v63  }
0x236: {  	s16 =	simm.s32 $0x4500;
	v0 =	vld [tilespmem:s14+$0x80]  }
0x237: {  	v1 =	vld [tilespmem:s16+$0x80]  }
0x238: {  	v2 =	vld [tilespmem:s14+$0xFFFFFF80]  }
0x239: {  	v3 =	vld [tilespmem:s16+$0xFFFFFF80]  }
0x23a: {  	v4 =	vld [tilespmem:s14+$0x0]  }
0x23b: {  	v5 =	vld [tilespmem:s16+$0x0]  }
0x23c: {  	v6 =	vld [tilespmem:s14+$0xFFFFFF00];
	v0 =	vmul.f32 v1, v0  }
0x23d: {  	v1 =	vld [tilespmem:s16+$0xFFFFFF00]  }
0x23e: {  	[tilespmem:s14+$0x80] =	vst v0;
	v0 =	vld [tilespmem:s14+$0x90]  }
0x23f: {  	v2 =	vmul.f32 v3, v2;
	v3 =	vld [tilespmem:s16+$0x90]  }
0x240: {  	v7 =	vld [tilespmem:s14+$0xFFFFFF10]  }
0x241: {  	[tilespmem:s14+$0xFFFFFF80] =	vst v2;
	v2 =	vmul.f32 v5, v4;
	v4 =	vld [tilespmem:s14+$0xFFFFFF90]  }
0x242: {  	v5 =	vld [tilespmem:s16+$0xFFFFFF90];
	v1 =	vmul.f32 v1, v6  }
0x243: {  	[tilespmem:s14+$0x0] =	vst v2;
	v2 =	vld [tilespmem:s14+$0x10]  }
0x244: {  	v6 =	vld [tilespmem:s16+$0x10];
	[tilespmem:s14+$0xFFFFFF00] =	vst v1;
	v0 =	vmul.f32 v3, v0  }
0x245: {  	v1 =	vld [tilespmem:s16+$0xFFFFFF10]  }
0x246: {  	[tilespmem:s14+$0x90] =	vst v0;
	v0 =	vld [tilespmem:s14+$0xA0]  }
0x247: {  	v3 =	vmul.f32 v5, v4;
	v4 =	vld [tilespmem:s16+$0xA0]  }
0x248: {  	v5 =	vld [tilespmem:s14+$0xFFFFFF20]  }
0x249: {  	[tilespmem:s14+$0xFFFFFF90] =	vst v3;
	v2 =	vmul.f32 v6, v2;
	v3 =	vld [tilespmem:s14+$0xFFFFFFA0]  }
0x24a: {  	v6 =	vld [tilespmem:s16+$0xFFFFFFA0];
	v1 =	vmul.f32 v1, v7  }
0x24b: {  	[tilespmem:s14+$0x10] =	vst v2;
	v2 =	vld [tilespmem:s14+$0x20]  }
0x24c: {  	v7 =	vld [tilespmem:s16+$0x20];
	[tilespmem:s14+$0xFFFFFF10] =	vst v1;
	v0 =	vmul.f32 v4, v0  }
0x24d: {  	v1 =	vld [tilespmem:s16+$0xFFFFFF20]  }
0x24e: {  	[tilespmem:s14+$0xA0] =	vst v0;
	v0 =	vld [tilespmem:s14+$0xB0]  }
0x24f: {  	v3 =	vmul.f32 v6, v3;
	v4 =	vld [tilespmem:s16+$0xB0]  }
0x250: {  	v6 =	vld [tilespmem:s14+$0xFFFFFF30]  }
0x251: {  	[tilespmem:s14+$0xFFFFFFA0] =	vst v3;
	v2 =	vmul.f32 v7, v2;
	v3 =	vld [tilespmem:s14+$0xFFFFFFB0]  }
0x252: {  	v7 =	vld [tilespmem:s16+$0xFFFFFFB0];
	v1 =	vmul.f32 v1, v5  }
0x253: {  	[tilespmem:s14+$0x20] =	vst v2;
	v2 =	vld [tilespmem:s14+$0x30]  }
0x254: {  	v5 =	vld [tilespmem:s16+$0x30];
	[tilespmem:s14+$0xFFFFFF20] =	vst v1;
	v0 =	vmul.f32 v4, v0  }
0x255: {  	v1 =	vld [tilespmem:s16+$0xFFFFFF30]  }
0x256: {  	[tilespmem:s14+$0xB0] =	vst v0;
	v0 =	vld [tilespmem:s14+$0xC0]  }
0x257: {  	v3 =	vmul.f32 v7, v3;
	v4 =	vld [tilespmem:s16+$0xC0]  }
0x258: {  	v7 =	vld [tilespmem:s14+$0xFFFFFF40]  }
0x259: {  	[tilespmem:s14+$0xFFFFFFB0] =	vst v3;
	v2 =	vmul.f32 v5, v2;
	v3 =	vld [tilespmem:s14+$0xFFFFFFC0]  }
0x25a: {  	v5 =	vld [tilespmem:s16+$0xFFFFFFC0];
	v1 =	vmul.f32 v1, v6  }
0x25b: {  	[tilespmem:s14+$0x30] =	vst v2;
	v2 =	vld [tilespmem:s14+$0x40]  }
0x25c: {  	v6 =	vld [tilespmem:s16+$0x40];
	[tilespmem:s14+$0xFFFFFF30] =	vst v1;
	v0 =	vmul.f32 v4, v0  }
0x25d: {  	v1 =	vld [tilespmem:s16+$0xFFFFFF40]  }
0x25e: {  	[tilespmem:s14+$0xC0] =	vst v0;
	v0 =	vld [tilespmem:s14+$0xD0]  }
0x25f: {  	v3 =	vmul.f32 v5, v3;
	v4 =	vld [tilespmem:s16+$0xD0]  }
0x260: {  	v5 =	vld [tilespmem:s14+$0xFFFFFF50]  }
0x261: {  	[tilespmem:s14+$0xFFFFFFC0] =	vst v3;
	v2 =	vmul.f32 v6, v2;
	v3 =	vld [tilespmem:s14+$0xFFFFFFD0]  }
0x262: {  	v6 =	vld [tilespmem:s16+$0xFFFFFFD0];
	v1 =	vmul.f32 v1, v7  }
0x263: {  	[tilespmem:s14+$0x40] =	vst v2;
	v2 =	vld [tilespmem:s14+$0x50]  }
0x264: {  	v7 =	vld [tilespmem:s16+$0x50];
	[tilespmem:s14+$0xFFFFFF40] =	vst v1;
	v0 =	vmul.f32 v4, v0  }
0x265: {  	v1 =	vld [tilespmem:s16+$0xFFFFFF50]  }
0x266: {  	[tilespmem:s14+$0xD0] =	vst v0;
	v0 =	vld [tilespmem:s14+$0xE0]  }
0x267: {  	v3 =	vmul.f32 v6, v3;
	v4 =	vld [tilespmem:s16+$0xE0]  }
0x268: {  	v6 =	vld [tilespmem:s14+$0xFFFFFF60]  }
0x269: {  	[tilespmem:s14+$0xFFFFFFD0] =	vst v3;
	v2 =	vmul.f32 v7, v2;
	v3 =	vld [tilespmem:s14+$0xFFFFFFE0]  }
0x26a: {  	v7 =	vld [tilespmem:s16+$0xFFFFFFE0];
	v1 =	vmul.f32 v1, v5  }
0x26b: {  	[tilespmem:s14+$0x50] =	vst v2;
	v2 =	vld [tilespmem:s14+$0x60]  }
0x26c: {  	v5 =	vld [tilespmem:s16+$0x60];
	[tilespmem:s14+$0xFFFFFF50] =	vst v1;
	v0 =	vmul.f32 v4, v0  }
0x26d: {  	v4 =	vld [tilespmem:s16+$0xFFFFFF60]  }
0x26e: {  	v8 =	vld [tilespmem:s14+$0xF0];
	[tilespmem:s14+$0xE0] =	vst v0  }
0x26f: {  	v1 =	vmul.f32 v7, v3;
	v7 =	vld [tilespmem:s16+$0xF0]  }
0x270: {  	v0 =	vld [tilespmem:s14+$0xFFFFFF70]  }
0x271: {  	[tilespmem:s14+$0xFFFFFFE0] =	vst v1;
	v2 =	vmul.f32 v5, v2;
	v1 =	vld [tilespmem:s14+$0xFFFFFFF0]  }
0x272: {  	v3 =	vld [tilespmem:s16+$0xFFFFFFF0];
	v4 =	vmul.f32 v4, v6  }
0x273: {  	[tilespmem:s14+$0x60] =	vst v2;
	v2 =	vld [tilespmem:s14+$0x70]  }
0x274: {  	[tilespmem:s14+$0xFFFFFF60] =	vst v4;
	v4 =	vld [tilespmem:s16+$0x70];
	v6 =	vmul.f32 v7, v8  }
0x275: {  	s10 =	simm.s32 $0x0;
	s18 =	simm.s32 $0x9700;
	v5 =	vld [tilespmem:s16+$0xFFFFFF70]  }
.LBB2_12:
0x276: {  	v7 =	vld [tilespmem:s18+$0x80];
	[tilespmem:s14+$0xF0] =	vst v6;
	s16 =	sadd.s32 $0x200, s16  }
0x277: {  	s10 =	sadd.s32 $0x4, s10;
	v6 =	vld [tilespmem:s16+$0x80];
	v1 =	vmul.f32 v3, v1  }
0x278: {  	p2 =	slt.u32 s10, $0x24;
	v3 =	vld [tilespmem:s16+$0xFFFFFF00]  }
0x279: {  	v8 =	vld [tilespmem:s18+$0xFFFFFF80];
	[tilespmem:s14+$0xFFFFFFF0] =	vst v1;
	v1 =	vmul.f32 v4, v2  }
0x27a: {  	v2 =	vld [tilespmem:s16+$0xFFFFFF80];
	v0 =	vmul.f32 v5, v0  }
0x27b: {  	v4 =	vld [tilespmem:s18+$0x0];
	[tilespmem:s14+$0x70] =	vst v1  }
0x27c: {  	v1 =	vld [tilespmem:s16+$0x0];
	v5 =	vmul.f32 v6, v7;
	[tilespmem:s14+$0xFFFFFF70] =	vst v0;
	s14 =	smov.u32 s18  }
0x27d: {  	v0 =	vld [tilespmem:s18+$0xFFFFFF00]  }
0x27e: {  	[tilespmem:s18+$0x80] =	vst v5;
	v5 =	vld [tilespmem:s18+$0x90]  }
0x27f: {  	v2 =	vmul.f32 v2, v8;
	v6 =	vld [tilespmem:s16+$0x90]  }
0x280: {  	v7 =	vld [tilespmem:s18+$0xFFFFFF10]  }
0x281: {  	[tilespmem:s18+$0xFFFFFF80] =	vst v2;
	v2 =	vld [tilespmem:s18+$0xFFFFFF90];
	v1 =	vmul.f32 v1, v4  }
0x282: {  	v0 =	vmul.f32 v3, v0;
	v3 =	vld [tilespmem:s16+$0xFFFFFF90]  }
0x283: {  	[tilespmem:s18+$0x0] =	vst v1;
	v1 =	vld [tilespmem:s18+$0x10]  }
0x284: {  	[tilespmem:s18+$0xFFFFFF00] =	vst v0;
	v0 =	vld [tilespmem:s16+$0x10];
	v4 =	vmul.f32 v6, v5  }
0x285: {  	v5 =	vld [tilespmem:s16+$0xFFFFFF10]  }
0x286: {  	[tilespmem:s18+$0x90] =	vst v4;
	v4 =	vld [tilespmem:s18+$0xA0]  }
0x287: {  	v2 =	vmul.f32 v3, v2;
	v3 =	vld [tilespmem:s16+$0xA0]  }
0x288: {  	v6 =	vld [tilespmem:s18+$0xFFFFFF20]  }
0x289: {  	[tilespmem:s18+$0xFFFFFF90] =	vst v2;
	v2 =	vld [tilespmem:s18+$0xFFFFFFA0];
	v0 =	vmul.f32 v0, v1  }
0x28a: {  	v1 =	vmul.f32 v5, v7;
	v5 =	vld [tilespmem:s16+$0xFFFFFFA0]  }
0x28b: {  	[tilespmem:s18+$0x10] =	vst v0;
	v0 =	vld [tilespmem:s18+$0x20]  }
0x28c: {  	[tilespmem:s18+$0xFFFFFF10] =	vst v1;
	v1 =	vld [tilespmem:s16+$0x20];
	v3 =	vmul.f32 v3, v4  }
0x28d: {  	v4 =	vld [tilespmem:s16+$0xFFFFFF20]  }
0x28e: {  	[tilespmem:s18+$0xA0] =	vst v3;
	v3 =	vld [tilespmem:s18+$0xB0]  }
0x28f: {  	v2 =	vmul.f32 v5, v2;
	v5 =	vld [tilespmem:s16+$0xB0]  }
0x290: {  	v7 =	vld [tilespmem:s18+$0xFFFFFF30]  }
0x291: {  	[tilespmem:s18+$0xFFFFFFA0] =	vst v2;
	v2 =	vld [tilespmem:s18+$0xFFFFFFB0];
	v0 =	vmul.f32 v1, v0  }
0x292: {  	v1 =	vmul.f32 v4, v6;
	v4 =	vld [tilespmem:s16+$0xFFFFFFB0]  }
0x293: {  	[tilespmem:s18+$0x20] =	vst v0;
	v0 =	vld [tilespmem:s18+$0x30]  }
0x294: {  	[tilespmem:s18+$0xFFFFFF20] =	vst v1;
	v1 =	vld [tilespmem:s16+$0x30];
	v3 =	vmul.f32 v5, v3  }
0x295: {  	v5 =	vld [tilespmem:s16+$0xFFFFFF30]  }
0x296: {  	[tilespmem:s18+$0xB0] =	vst v3;
	v3 =	vld [tilespmem:s18+$0xC0]  }
0x297: {  	v2 =	vmul.f32 v4, v2;
	v4 =	vld [tilespmem:s16+$0xC0]  }
0x298: {  	v6 =	vld [tilespmem:s18+$0xFFFFFF40]  }
0x299: {  	[tilespmem:s18+$0xFFFFFFB0] =	vst v2;
	v2 =	vld [tilespmem:s18+$0xFFFFFFC0];
	v0 =	vmul.f32 v1, v0  }
0x29a: {  	v1 =	vmul.f32 v5, v7;
	v5 =	vld [tilespmem:s16+$0xFFFFFFC0]  }
0x29b: {  	[tilespmem:s18+$0x30] =	vst v0;
	v0 =	vld [tilespmem:s18+$0x40]  }
0x29c: {  	[tilespmem:s18+$0xFFFFFF30] =	vst v1;
	v1 =	vld [tilespmem:s16+$0x40];
	v3 =	vmul.f32 v4, v3  }
0x29d: {  	v4 =	vld [tilespmem:s16+$0xFFFFFF40]  }
0x29e: {  	[tilespmem:s18+$0xC0] =	vst v3;
	v3 =	vld [tilespmem:s18+$0xD0]  }
0x29f: {  	v2 =	vmul.f32 v5, v2;
	v5 =	vld [tilespmem:s16+$0xD0]  }
0x2a0: {  	v7 =	vld [tilespmem:s18+$0xFFFFFF50]  }
0x2a1: {  	[tilespmem:s18+$0xFFFFFFC0] =	vst v2;
	v2 =	vld [tilespmem:s18+$0xFFFFFFD0];
	v0 =	vmul.f32 v1, v0  }
0x2a2: {  	v1 =	vmul.f32 v4, v6;
	v4 =	vld [tilespmem:s16+$0xFFFFFFD0]  }
0x2a3: {  	[tilespmem:s18+$0x40] =	vst v0;
	v0 =	vld [tilespmem:s18+$0x50]  }
0x2a4: {  	[tilespmem:s18+$0xFFFFFF40] =	vst v1;
	v1 =	vld [tilespmem:s16+$0x50];
	v3 =	vmul.f32 v5, v3  }
0x2a5: {  	v5 =	vld [tilespmem:s16+$0xFFFFFF50]  }
0x2a6: {  	[tilespmem:s18+$0xD0] =	vst v3;
	v3 =	vld [tilespmem:s18+$0xE0]  }
0x2a7: {  	v2 =	vmul.f32 v4, v2;
	v4 =	vld [tilespmem:s16+$0xE0]  }
0x2a8: {  	v6 =	vld [tilespmem:s18+$0xFFFFFF60]  }
0x2a9: {  	[tilespmem:s18+$0xFFFFFFD0] =	vst v2;
	v2 =	vld [tilespmem:s18+$0xFFFFFFE0];
	v0 =	vmul.f32 v1, v0  }
0x2aa: {  	v1 =	vmul.f32 v5, v7;
	v5 =	vld [tilespmem:s16+$0xFFFFFFE0]  }
0x2ab: {  	[tilespmem:s18+$0x50] =	vst v0;
	v7 =	vld [tilespmem:s18+$0x60]  }
0x2ac: {  	[tilespmem:s18+$0xFFFFFF50] =	vst v1;
	v8 =	vld [tilespmem:s16+$0x60];
	v0 =	vmul.f32 v4, v3  }
0x2ad: {  	v3 =	vld [tilespmem:s16+$0xFFFFFF60]  }
0x2ae: {  	[tilespmem:s18+$0xE0] =	vst v0;
	v9 =	vld [tilespmem:s18+$0xF0]  }
0x2af: {  	v1 =	vmul.f32 v5, v2;
	v5 =	vld [tilespmem:s16+$0xF0]  }
0x2b0: {  	v0 =	vld [tilespmem:s18+$0xFFFFFF70]  }
.Ltmp7:
0x2b1: {  	[tilespmem:s18+$0xFFFFFFE0] =	vst v1;
	v1 =	vld [tilespmem:s18+$0xFFFFFFF0];
	v2 =	vmul.f32 v8, v7;
	(pc) =	sbr.rel @p2 .LBB2_12-.Ltmp7, $4  }
0x2b2: {  	v4 =	vmul.f32 v3, v6;
	v3 =	vld [tilespmem:s16+$0xFFFFFFF0]  }
0x2b3: {  	[tilespmem:s18+$0x60] =	vst v2;
	v2 =	vld [tilespmem:s18+$0x70]  }
0x2b4: {  	[tilespmem:s18+$0xFFFFFF60] =	vst v4;
	v4 =	vld [tilespmem:s16+$0x70];
	v6 =	vmul.f32 v5, v9  }
0x2b5: {  	s18 =	sadd.s32 $0x200, s18;
	v5 =	vld [tilespmem:s16+$0xFFFFFF70]  }
0x2b6: {  	_ =	sdelay $0x1  }
0x2b7: {  	v1 =	vmul.f32 v3, v1  }
.Ltmp8:
0x2b8: {  	[tilespmem:s14+$0xF0] =	vst v6;
	v2 =	vmul.f32 v4, v2;
	(pc) =	sbr.rel @p1 .LBB2_15-.Ltmp8, $4  }
0x2b9: {  	[tilespmem:s14+$0xFFFFFFF0] =	vst v1;
	v0 =	vmul.f32 v5, v0  }
0x2ba: {  	[tilespmem:s14+$0x70] =	vst v2  }
0x2bb: {  	[tilespmem:s14+$0xFFFFFF70] =	vst v0  }
0x2bc: {  	[spmem:s4] =	stream.indirect.scatter.add.f32 [tilespmem:s7], [sflag:$0x6], $0x80, s21, s31, $0xb8;
	[tilespmem:$0x1E080] =	vst v63  }
0x2bd: {  	s10 =	smul.u32 $0x50, s19  }
.Ltmp9:
0x2be: {  	_ = 	snop;
	(pc) =	sbr.rel .LBB2_2-.Ltmp9, $4  }
0x2bf: {  	s10 =	sadd.s32 s10, s20  }
0x2c0: {  	s10 =	sshll.u32 s10, $0x4  }
0x2c1: {  	s19 =	sadd.s32 $0x1, s19;
	s10 =	sadd.s32 s2, s10  }
0x2c2: {  	[tilespmem:s30], [sflag:$0x2] =	stream.linear.gather [hbm4b:s10+s5], $0x1400, $0x38;
	[tilespmem:$0x1E080] =	vst v63  }
.LBB2_16:
0x2c3: {  	_ =	sfence.sel $0x180000  }
0x2c4: {  	[bflag:$0x0] =	sbarrier.arrive $0xFFFF  }
0x2c5: {  	_ =	strace $0x90000047  }
0x2c6: {  	[bflag:$0x2] =	sbarrier.arrive $0xFFFF  }
0x2c7: {  	s0 =	rddreg [dreg:$0x5]  }
0x2c8: {  	s0 =	sadd.s32 @!p0 $0x100000, s0  }
0x2c9: {  	[sflag:s0] =	ssyncadd.tile.s32 @!p0 $0x1;
	_ =	shalt  }
.Lfunc_end2:
_tile_overlayer_lowered:
.L_overlay_start_2:
0x2ca: {  	(tag) =	ssettag $0x2  }
0x2cb: {  	s0 =	rddreg [dreg:$0x0];
	s2 =	stileid.u32  }
0x2cc: {  	s1 =	rddreg [dreg:$0x1];
	p0 =	sne.s32 s2, $0x0  }
0x2cd: {  	s3 =	rddreg [dreg:$0x2];
	[bflag:$0x3] =	sbarrier.arrive $0xFFFF;
	s2 =	simm.s32 @!p0 $0x1C08  }
0x2ce: {  	[timem:s3], [sflag:s2] =	dma.local @!p0 [hbm:s0], s1  }
0x2cf: {  	s0 =	simm.s32 @!p0 $0x8  }
0x2d0: {  	_ =	swait.ge @!p0 [sflag:s0], s1  }
0x2d1: {  	s1 =	ssub.s32 @!p0 $0x0, s1;
	[sflag:s0] =	ssyncset.done @!p0 $0x0  }
0x2d2: {  	[sflag:s0] =	ssyncadd.s32 @!p0 s1  }
0x2d3: {  	[bflag:$0x3] =	sbarrier.arrive $0xFFFF  }
0x2d4: {  	_ =	shalt  }

</sc_bundles>
